<compile_context>
chip_gen: v7x
topology: tpu7x:2x2x1
jax: 0.10.2.dev20260603
libtpu: 0.0.44.dev20260713+nightly
codegen_flags: <defaults>
</compile_context>

<pallas_src>
import functools

import jax
import jax.numpy as jnp
from jax import lax
from jax.experimental import pallas as pl
from jax.experimental.pallas import tpu as pltpu
from jax.experimental.pallas import tpu_sc as plsc

N_NODES = 10000
N_EDGES = 320000
D = 128
N_PATH = 6
PATH_LEN = 20

NC = 2
NS = 16
NW = NC * NS
EDGES_PER_W = N_EDGES // NW
CH = 100
NCHUNK = EDGES_PER_W // CH
K = 1
NGRP = NCHUNK // (2 * K)
ZROWS = 2 * K * CH
R0 = 624


def _seg_sum_sc(idx4, feat):
    mesh = plsc.VectorSubcoreMesh(core_axis_name="c", subcore_axis_name="s",
                                  num_cores=NC, num_subcores=NS)

    @functools.partial(
        pl.kernel,
        out_type=jax.ShapeDtypeStruct((NC, N_NODES, D), jnp.float32),
        mesh=mesh,
        compiler_params=pltpu.CompilerParams(use_tc_tiling_on_sc=False),
        scratch_types=[
            pltpu.VMEM((NCHUNK, CH), jnp.int32),
            pltpu.VMEM((NCHUNK, CH), jnp.int32),
            pltpu.VMEM((ZROWS, D), jnp.float32),
            pltpu.VMEM_SHARED((N_NODES, D), jnp.float32),
            pltpu.SemaphoreType.DMA,
            pltpu.SemaphoreType.DMA,
            pltpu.SemaphoreType.DMA,
            pltpu.SemaphoreType.DMA,
        ],
    )
    def k(idx_hbm, feat_hbm, out_hbm, srcs_v, dsts_v, gbufs,
          acc_sh, gsemA, gsemB, ssemA, ssemB):
        c = lax.axis_index("c")
        s = lax.axis_index("s")
        wid = c * NS + s

        pltpu.sync_copy(idx_hbm.at[0, wid], srcs_v)
        pltpu.sync_copy(idx_hbm.at[1, wid], dsts_v)

        def zrow(i, carry):
            for kk in range(D // 16):
                gbufs[i, pl.ds(kk * 16, 16)] = jnp.zeros((16,), jnp.float32)
            return carry

        lax.fori_loop(0, ZROWS, zrow, 0)
        for t in range(R0 // ZROWS):
            pltpu.sync_copy(gbufs.at[pl.ds(0, ZROWS)],
                            acc_sh.at[pl.ds(s * R0 + t * ZROWS, ZROWS)])
        rem = R0 % ZROWS
        if rem:
            pltpu.sync_copy(gbufs.at[pl.ds(0, rem)],
                            acc_sh.at[pl.ds(s * R0 + (R0 // ZROWS) * ZROWS,
                                            rem)])

        @pl.when(s == NS - 1)
        def _zero_tail():
            pltpu.sync_copy(gbufs.at[pl.ds(0, N_NODES - NS * R0)],
                            acc_sh.at[pl.ds(NS * R0, N_NODES - NS * R0)])

        plsc.subcore_barrier()

        def buf(b):
            return gbufs.at[pl.ds(b * CH, CH)]

        def gather(j, b, sem):
            return pltpu.async_copy(feat_hbm.at[srcs_v.at[j]], buf(b), sem)

        def scatter(j, b, sem):
            return pltpu.async_copy(buf(b), acc_sh.at[dsts_v.at[j]], sem,
                                    add=True)

        def gather_wait(b, sem):
            pltpu.make_async_copy(feat_hbm.at[srcs_v.at[0]], buf(b), sem).wait()

        def scatter_wait(b, sem):
            pltpu.make_async_copy(buf(b), acc_sh.at[dsts_v.at[0]], sem).wait()

        for b in range(K):
            gather(b, b, gsemA)

        def body(g, carry):
            base = g * 2 * K
            for b in range(K):
                gather(base + K + b, K + b, gsemB)
            for b in range(K):
                gather_wait(b, gsemA)
            for b in range(K):
                scatter(base + b, b, ssemA)
            for b in range(K):
                gather_wait(K + b, gsemB)
            for b in range(K):
                scatter(base + K + b, K + b, ssemB)
            for b in range(K):
                scatter_wait(b, ssemA)

            @pl.when(g < NGRP - 1)
            def _prefetch_next():
                for b in range(K):
                    gather(base + 2 * K + b, b, gsemA)

            for b in range(K):
                scatter_wait(K + b, ssemB)
            return carry

        lax.fori_loop(0, NGRP, body, 0)
        plsc.subcore_barrier()

        pltpu.sync_copy(acc_sh.at[pl.ds(s * R0, R0)],
                        out_hbm.at[c, pl.ds(s * R0, R0)])

        @pl.when(s == NS - 1)
        def _write_tail():
            pltpu.sync_copy(acc_sh.at[pl.ds(NS * R0, N_NODES - NS * R0)],
                            out_hbm.at[c, pl.ds(NS * R0, N_NODES - NS * R0)])

    return k(idx4, feat)


BLK = 2000


def _gin_tc(feat, p, W, b):
    nblk = N_NODES // BLK

    def body(h_ref, p_ref, w_ref, b_ref, o_ref):
        x = h_ref[...] + p_ref[0] + p_ref[1]
        y = jnp.dot(x, w_ref[...], preferred_element_type=jnp.float32)
        o_ref[...] = jnp.maximum(y + b_ref[...], 0.0)

    return pl.pallas_call(
        body,
        grid=(nblk,),
        in_specs=[
            pl.BlockSpec((BLK, D), lambda i: (i, 0)),
            pl.BlockSpec((NC, BLK, D), lambda i: (0, i, 0)),
            pl.BlockSpec((D, D), lambda i: (0, 0)),
            pl.BlockSpec((1, D), lambda i: (0, 0)),
        ],
        out_specs=pl.BlockSpec((BLK, D), lambda i: (i, 0)),
        out_shape=jax.ShapeDtypeStruct((N_NODES, D), jnp.float32),
    )(feat, p, W, b.reshape(1, D))


def _gin2_head_tc(feat, p, W, b, w1r, b1r, w2r, b2r):
    nblk = N_NODES // BLK

    def body(h_ref, p_ref, w_ref, b_ref, w1_ref, b1_ref, w2_ref,
             b2_ref, o_ref, colsum_sc, psum_sc):
        i = pl.program_id(0)
        x = h_ref[...] + p_ref[0] + p_ref[1]
        y = jnp.maximum(
            jnp.dot(x, w_ref[...], preferred_element_type=jnp.float32)
            + b_ref[...], 0.0)
        cs = jnp.sum(y, axis=0, keepdims=True)

        @pl.when(i == 0)
        def _first():
            colsum_sc[...] = cs
            psum_sc[...] = jnp.concatenate(
                [jnp.sum(y[p * PATH_LEN:(p + 1) * PATH_LEN, :], axis=0,
                         keepdims=True) for p in range(N_PATH)], axis=0)

        @pl.when(i > 0)
        def _rest():
            colsum_sc[...] += cs

        @pl.when(i == nblk - 1)
        def _finish():
            gmean = colsum_sc[...] * (1.0 / N_NODES)
            wm = w1_ref[0:1, :]
            ws = w1_ref[1:2, :]
            sv = (jnp.sum(gmean * wm, axis=1, keepdims=True)
                  + jnp.sum(psum_sc[...] * ws, axis=1, keepdims=True)
                  + b1_ref[0, 0])
            sv = jnp.tanh(sv)
            z = (jnp.sum(sv * w2_ref[...], axis=0, keepdims=True)
                 + b2_ref[...])
            zm = z - jnp.max(z, axis=1, keepdims=True)
            e = jnp.exp(zm)
            o_ref[...] = e / jnp.sum(e, axis=1, keepdims=True)

    zero2 = lambda i: (0, 0)
    return pl.pallas_call(
        body,
        grid=(nblk,),
        in_specs=[
            pl.BlockSpec((BLK, D), lambda i: (i, 0)),
            pl.BlockSpec((NC, BLK, D), lambda i: (0, i, 0)),
            pl.BlockSpec((D, D), zero2),
            pl.BlockSpec((1, D), zero2),
            pl.BlockSpec((2, D), zero2),
            pl.BlockSpec((1, 1), zero2),
            pl.BlockSpec((N_PATH, 2), zero2),
            pl.BlockSpec((1, 2), zero2),
        ],
        out_specs=pl.BlockSpec((1, 2), zero2),
        out_shape=jax.ShapeDtypeStruct((1, 2), jnp.float32),
        scratch_shapes=[
            pltpu.VMEM((1, D), jnp.float32),
            pltpu.VMEM((N_PATH, D), jnp.float32),
        ],
    )(feat, p, W, b.reshape(1, D), w1r, b1r, w2r, b2r)


def kernel(edge_index, h, W1, b1, W2, b2, lin1_W, lin1_b, lin2_W, lin2_b):
    idx4 = edge_index.reshape(2, NW, NCHUNK, CH)
    p1 = _seg_sum_sc(idx4, h)
    h1 = _gin_tc(h, p1, W1, b1)
    p2 = _seg_sum_sc(idx4, h1)
    w1r = lin1_W[:, 0].reshape(2, D)
    return _gin2_head_tc(h1, p2, W2, b2, w1r,
                         lin1_b.reshape(1, 1), lin2_W, lin2_b.reshape(1, 2))

# --- scband reference (transcript-rebuilt; emitter-appended) ---
"""Pipeline reference for scband-deep-moi-11630771437871 (READ-ONLY COPY).

The authoritative reference and input builder live on the scoring server;
editing this copy changes nothing except your own understanding.
"""

import jax, jax.numpy as jnp
import numpy as np

N_NODES = 10000
N_EDGES = 320000
IN_DIM = 128
HID = 128
N_PATH = 6
PATH_LEN = 20
PATHWAY = jnp.arange(N_PATH * PATH_LEN, dtype=jnp.int32).reshape(N_PATH, PATH_LEN)


def setup_inputs(seed: int = 0) -> dict:
    key = jax.random.key(seed)
    ks = jax.random.split(key, 12)
    inputs = {}
    inputs["edge_index"] = jax.random.randint(ks[0], (2, N_EDGES), 0, N_NODES, dtype=jnp.int32)
    inputs["h"] = jax.random.normal(ks[1], (N_NODES, IN_DIM), dtype=jnp.float32)
    inputs["W1"] = jax.random.normal(ks[2], (IN_DIM, HID), dtype=jnp.float32) * 0.05
    inputs["b1"] = jnp.zeros((HID,), dtype=jnp.float32)
    inputs["W2"] = jax.random.normal(ks[3], (HID, HID), dtype=jnp.float32) * 0.05
    inputs["b2"] = jnp.zeros((HID,), dtype=jnp.float32)
    inputs["lin1_W"] = jax.random.normal(ks[4], (2 * HID, 1), dtype=jnp.float32) * 0.05
    inputs["lin1_b"] = jnp.zeros((1,), dtype=jnp.float32)
    inputs["lin2_W"] = jax.random.normal(ks[5], (N_PATH, 2), dtype=jnp.float32) * 0.05
    inputs["lin2_b"] = jnp.zeros((2,), dtype=jnp.float32)
    return inputs


def _gin_conv(feat, src, dst, W, b):
    # DGL GINConv with aggregator 'sum', eps=0: rst = (1+eps)*feat + sum_{j in N(i)} feat_j
    msg = jnp.take(feat, src, axis=0)
    agg = jax.ops.segment_sum(msg, dst, num_segments=N_NODES)
    rst = feat + agg
    return rst @ W + b


def reference(edge_index, h, W1, b1, W2, b2, lin1_W, lin1_b, lin2_W, lin2_b):
    src = edge_index[0]
    dst = edge_index[1]
    h1 = jax.nn.relu(_gin_conv(h, src, dst, W1, b1))
    h2 = jax.nn.relu(_gin_conv(h1, src, dst, W2, b2))
    # batch of 1 graph (dgl.unbatch -> single graph)
    # Faithful to original code: mean_nodes is called on the FULL graph g (not sg),
    # so the mean branch is the whole-graph mean repeated per pathway.
    g_mean = jnp.mean(h2, axis=0)
    h_mean = jnp.tile(g_mean[None, :], (N_PATH, 1))
    # sum pooling over each pathway node subgraph
    h_sum = jax.vmap(lambda idx: jnp.sum(jnp.take(h2, idx, axis=0), axis=0))(PATHWAY)
    feat = jnp.concatenate([h_mean, h_sum], axis=1)  # [N_PATH, 2*HID]
    s = jnp.tanh((feat @ lin1_W + lin1_b)[:, 0])     # [N_PATH]
    logit = jax.nn.softmax(s @ lin2_W + lin2_b)      # [2]
    return logit[None, :]                            # stacked over 1 graph -> [1, 2]

if __name__ == "__main__":
    import jax
    _d = setup_inputs()
    print(jax.jit(kernel)(*tuple(_d.values())))

</pallas_src>

<mosaic_0001>
#map = affine_map<(d0, d1) -> (0, 0, 0, 0)>
#map1 = affine_map<(d0, d1) -> (0, 0)>
#map2 = affine_map<(d0, d1) -> (0, 0, 0)>
module attributes {stable_mosaic.version = 14 : i64} {
  func.func @k(%arg0: i32, %arg1: i32, %arg2: memref<2x32x100x100xi32, #tpu.memory_space<hbm>>, %arg3: memref<10000x128xf32, #tpu.memory_space<hbm>>, %arg4: memref<2x10000x128xf32, #tpu.memory_space<hbm>>, %arg5: memref<100x100xi32, #tpu.memory_space<vmem>>, %arg6: memref<100x100xi32, #tpu.memory_space<vmem>>, %arg7: memref<200x128xf32, #tpu.memory_space<vmem>>, %arg8: memref<10000x128xf32, #tpu.memory_space<vmem_shared>>, %arg9: memref<!tpu.dma_semaphore, #tpu.memory_space<semaphore_mem>>, %arg10: memref<!tpu.dma_semaphore, #tpu.memory_space<semaphore_mem>>, %arg11: memref<!tpu.dma_semaphore, #tpu.memory_space<semaphore_mem>>, %arg12: memref<!tpu.dma_semaphore, #tpu.memory_space<semaphore_mem>>) attributes {dimension_semantics = [#tpu.dimension_semantics<core_parallel>, #tpu.dimension_semantics<subcore_parallel>], iteration_bounds = array<i64: 2, 16>, scalar_prefetch = 0 : i64, scratch_operands = 8 : i64, tpu.core_type = #tpu.core_type<sc_vector_subcore>, window_params = [{transform_indices = #map}, {transform_indices = #map1}, {transform_indices = #map2}]} {
    %mul3A = arith.constant 16 : i32
    %mul3A_0 = arith.muli %arg0, %mul3A : i32
    %add3A = arith.addi %mul3A_0, %arg1 : i32
    %run_scoped3A = arith.constant 0 : i32
    "tpu.region"() ({
      %run_scoped3A_50 = tpu.sem_alloc : memref<!tpu.dma_semaphore, #tpu.memory_space<semaphore_mem>>
      %dma_start3A_51 = arith.constant 0 : i32
      %dma_start3A_52 = arith.constant 0 : i32
      %dma_start3A_53 = tpu.memref_slice %arg2[%run_scoped3A, %add3A, %dma_start3A_51, %dma_start3A_52] : memref<2x32x100x100xi32, #tpu.memory_space<hbm>> -> memref<1x1x100x100xi32, #tpu.memory_space<hbm>>
      %dma_start3A_54 = tpu.memref_squeeze %dma_start3A_53 : memref<1x1x100x100xi32, #tpu.memory_space<hbm>> -> memref<100x100xi32, #tpu.memory_space<hbm>>
      %dma_start3A_55 = arith.constant 0 : i32
      %dma_start3A_56 = arith.constant 0 : i32
      %dma_start3A_57 = tpu.memref_slice %arg2[%run_scoped3A, %add3A, %dma_start3A_55, %dma_start3A_56] : memref<2x32x100x100xi32, #tpu.memory_space<hbm>> -> memref<1x1x100x100xi32, #tpu.memory_space<hbm>>
      %dma_start3A_58 = tpu.memref_squeeze %dma_start3A_57 : memref<1x1x100x100xi32, #tpu.memory_space<hbm>> -> memref<100x100xi32, #tpu.memory_space<hbm>>
      tpu.enqueue_dma source(%dma_start3A_58 : memref<100x100xi32, #tpu.memory_space<hbm>>) target(%arg5 : memref<100x100xi32, #tpu.memory_space<vmem>>) target_semaphore(%run_scoped3A_50 : memref<!tpu.dma_semaphore, #tpu.memory_space<semaphore_mem>>)
      %dma_wait3A = arith.constant 0 : i32
      %dma_wait3A_59 = arith.constant 0 : i32
      %dma_wait3A_60 = tpu.memref_slice %arg2[%run_scoped3A, %add3A, %dma_wait3A, %dma_wait3A_59] : memref<2x32x100x100xi32, #tpu.memory_space<hbm>> -> memref<1x1x100x100xi32, #tpu.memory_space<hbm>>
      %dma_wait3A_61 = tpu.memref_squeeze %dma_wait3A_60 : memref<1x1x100x100xi32, #tpu.memory_space<hbm>> -> memref<100x100xi32, #tpu.memory_space<hbm>>
      %dma_wait3A_62 = arith.constant 0 : i32
      %dma_wait3A_63 = arith.constant 0 : i32
      %dma_wait3A_64 = tpu.memref_slice %arg2[%run_scoped3A, %add3A, %dma_wait3A_62, %dma_wait3A_63] : memref<2x32x100x100xi32, #tpu.memory_space<hbm>> -> memref<1x1x100x100xi32, #tpu.memory_space<hbm>>
      %dma_wait3A_65 = tpu.memref_squeeze %dma_wait3A_64 : memref<1x1x100x100xi32, #tpu.memory_space<hbm>> -> memref<100x100xi32, #tpu.memory_space<hbm>>
      tpu.wait_dma2 semaphore(%run_scoped3A_50 : memref<!tpu.dma_semaphore, #tpu.memory_space<semaphore_mem>>) src(%dma_wait3A_65 : memref<100x100xi32, #tpu.memory_space<hbm>>) dst(%arg5 : memref<100x100xi32, #tpu.memory_space<vmem>>)
      tpu.yield
    }) : () -> ()
    %run_scoped3A_1 = arith.constant 1 : i32
    "tpu.region"() ({
      %run_scoped3A_50 = tpu.sem_alloc : memref<!tpu.dma_semaphore, #tpu.memory_space<semaphore_mem>>
      %dma_start3A_51 = arith.constant 0 : i32
      %dma_start3A_52 = arith.constant 0 : i32
      %dma_start3A_53 = tpu.memref_slice %arg2[%run_scoped3A_1, %add3A, %dma_start3A_51, %dma_start3A_52] : memref<2x32x100x100xi32, #tpu.memory_space<hbm>> -> memref<1x1x100x100xi32, #tpu.memory_space<hbm>>
      %dma_start3A_54 = tpu.memref_squeeze %dma_start3A_53 : memref<1x1x100x100xi32, #tpu.memory_space<hbm>> -> memref<100x100xi32, #tpu.memory_space<hbm>>
      %dma_start3A_55 = arith.constant 0 : i32
      %dma_start3A_56 = arith.constant 0 : i32
      %dma_start3A_57 = tpu.memref_slice %arg2[%run_scoped3A_1, %add3A, %dma_start3A_55, %dma_start3A_56] : memref<2x32x100x100xi32, #tpu.memory_space<hbm>> -> memref<1x1x100x100xi32, #tpu.memory_space<hbm>>
      %dma_start3A_58 = tpu.memref_squeeze %dma_start3A_57 : memref<1x1x100x100xi32, #tpu.memory_space<hbm>> -> memref<100x100xi32, #tpu.memory_space<hbm>>
      tpu.enqueue_dma source(%dma_start3A_58 : memref<100x100xi32, #tpu.memory_space<hbm>>) target(%arg6 : memref<100x100xi32, #tpu.memory_space<vmem>>) target_semaphore(%run_scoped3A_50 : memref<!tpu.dma_semaphore, #tpu.memory_space<semaphore_mem>>)
      %dma_wait3A = arith.constant 0 : i32
      %dma_wait3A_59 = arith.constant 0 : i32
      %dma_wait3A_60 = tpu.memref_slice %arg2[%run_scoped3A_1, %add3A, %dma_wait3A, %dma_wait3A_59] : memref<2x32x100x100xi32, #tpu.memory_space<hbm>> -> memref<1x1x100x100xi32, #tpu.memory_space<hbm>>
      %dma_wait3A_61 = tpu.memref_squeeze %dma_wait3A_60 : memref<1x1x100x100xi32, #tpu.memory_space<hbm>> -> memref<100x100xi32, #tpu.memory_space<hbm>>
      %dma_wait3A_62 = arith.constant 0 : i32
      %dma_wait3A_63 = arith.constant 0 : i32
      %dma_wait3A_64 = tpu.memref_slice %arg2[%run_scoped3A_1, %add3A, %dma_wait3A_62, %dma_wait3A_63] : memref<2x32x100x100xi32, #tpu.memory_space<hbm>> -> memref<1x1x100x100xi32, #tpu.memory_space<hbm>>
      %dma_wait3A_65 = tpu.memref_squeeze %dma_wait3A_64 : memref<1x1x100x100xi32, #tpu.memory_space<hbm>> -> memref<100x100xi32, #tpu.memory_space<hbm>>
      tpu.wait_dma2 semaphore(%run_scoped3A_50 : memref<!tpu.dma_semaphore, #tpu.memory_space<semaphore_mem>>) src(%dma_wait3A_65 : memref<100x100xi32, #tpu.memory_space<hbm>>) dst(%arg6 : memref<100x100xi32, #tpu.memory_space<vmem>>)
      tpu.yield
    }) : () -> ()
    %scan3A = arith.constant 0 : i32
    %scan3A_2 = arith.constant 0 : i32
    %scan3A_3 = arith.constant 200 : i32
    %scan3A_4 = arith.addi %scan3A_2, %scan3A_3 : i32
    %scan3A_5 = arith.constant 1 : i32
    scf.for %scan3A_50 = %scan3A_2 to %scan3A_4 step %scan3A_5  : i32 {
      %broadcast_in_dim3A = arith.constant 0.000000e+00 : f32
      %broadcast_in_dim3A_51 = vector.broadcast %broadcast_in_dim3A : f32 to vector<16xf32>
      %swap3A = arith.index_cast %scan3A_50 : i32 to index
      %swap3A_52 = arith.constant 0 : index
      %swap3A_53 = tpu.vector_load %arg7[%swap3A, %swap3A_52] {strides = array<i32>} : memref<200x128xf32, #tpu.memory_space<vmem>>, vector<1x16xf32>,
      %swap3A_54 = vector.shape_cast %swap3A_53 : vector<1x16xf32> to vector<16xf32>
      %swap3A_55 = vector.shape_cast %broadcast_in_dim3A_51 : vector<16xf32> to vector<1x16xf32>
      tpu.vector_store %arg7[%swap3A, %swap3A_52], %swap3A_55 {strides = array<i32>} : memref<200x128xf32, #tpu.memory_space<vmem>>, vector<1x16xf32>,
      %broadcast_in_dim3A_56 = arith.constant 0.000000e+00 : f32
      %broadcast_in_dim3A_57 = vector.broadcast %broadcast_in_dim3A_56 : f32 to vector<16xf32>
      %swap3A_58 = arith.index_cast %scan3A_50 : i32 to index
      %swap3A_59 = arith.constant 16 : index
      %swap3A_60 = tpu.vector_load %arg7[%swap3A_58, %swap3A_59] {strides = array<i32>} : memref<200x128xf32, #tpu.memory_space<vmem>>, vector<1x16xf32>,
      %swap3A_61 = vector.shape_cast %swap3A_60 : vector<1x16xf32> to vector<16xf32>
      %swap3A_62 = vector.shape_cast %broadcast_in_dim3A_57 : vector<16xf32> to vector<1x16xf32>
      tpu.vector_store %arg7[%swap3A_58, %swap3A_59], %swap3A_62 {strides = array<i32>} : memref<200x128xf32, #tpu.memory_space<vmem>>, vector<1x16xf32>,
      %broadcast_in_dim3A_63 = arith.constant 0.000000e+00 : f32
      %broadcast_in_dim3A_64 = vector.broadcast %broadcast_in_dim3A_63 : f32 to vector<16xf32>
      %swap3A_65 = arith.index_cast %scan3A_50 : i32 to index
      %swap3A_66 = arith.constant 32 : index
      %swap3A_67 = tpu.vector_load %arg7[%swap3A_65, %swap3A_66] {strides = array<i32>} : memref<200x128xf32, #tpu.memory_space<vmem>>, vector<1x16xf32>,
      %swap3A_68 = vector.shape_cast %swap3A_67 : vector<1x16xf32> to vector<16xf32>
      %swap3A_69 = vector.shape_cast %broadcast_in_dim3A_64 : vector<16xf32> to vector<1x16xf32>
      tpu.vector_store %arg7[%swap3A_65, %swap3A_66], %swap3A_69 {strides = array<i32>} : memref<200x128xf32, #tpu.memory_space<vmem>>, vector<1x16xf32>,
      %broadcast_in_dim3A_70 = arith.constant 0.000000e+00 : f32
      %broadcast_in_dim3A_71 = vector.broadcast %broadcast_in_dim3A_70 : f32 to vector<16xf32>
      %swap3A_72 = arith.index_cast %scan3A_50 : i32 to index
      %swap3A_73 = arith.constant 48 : index
      %swap3A_74 = tpu.vector_load %arg7[%swap3A_72, %swap3A_73] {strides = array<i32>} : memref<200x128xf32, #tpu.memory_space<vmem>>, vector<1x16xf32>,
      %swap3A_75 = vector.shape_cast %swap3A_74 : vector<1x16xf32> to vector<16xf32>
      %swap3A_76 = vector.shape_cast %broadcast_in_dim3A_71 : vector<16xf32> to vector<1x16xf32>
      tpu.vector_store %arg7[%swap3A_72, %swap3A_73], %swap3A_76 {strides = array<i32>} : memref<200x128xf32, #tpu.memory_space<vmem>>, vector<1x16xf32>,
      %broadcast_in_dim3A_77 = arith.constant 0.000000e+00 : f32
      %broadcast_in_dim3A_78 = vector.broadcast %broadcast_in_dim3A_77 : f32 to vector<16xf32>
      %swap3A_79 = arith.index_cast %scan3A_50 : i32 to index
      %swap3A_80 = arith.constant 64 : index
      %swap3A_81 = tpu.vector_load %arg7[%swap3A_79, %swap3A_80] {strides = array<i32>} : memref<200x128xf32, #tpu.memory_space<vmem>>, vector<1x16xf32>,
      %swap3A_82 = vector.shape_cast %swap3A_81 : vector<1x16xf32> to vector<16xf32>
      %swap3A_83 = vector.shape_cast %broadcast_in_dim3A_78 : vector<16xf32> to vector<1x16xf32>
      tpu.vector_store %arg7[%swap3A_79, %swap3A_80], %swap3A_83 {strides = array<i32>} : memref<200x128xf32, #tpu.memory_space<vmem>>, vector<1x16xf32>,
      %broadcast_in_dim3A_84 = arith.constant 0.000000e+00 : f32
      %broadcast_in_dim3A_85 = vector.broadcast %broadcast_in_dim3A_84 : f32 to vector<16xf32>
      %swap3A_86 = arith.index_cast %scan3A_50 : i32 to index
      %swap3A_87 = arith.constant 80 : index
      %swap3A_88 = tpu.vector_load %arg7[%swap3A_86, %swap3A_87] {strides = array<i32>} : memref<200x128xf32, #tpu.memory_space<vmem>>, vector<1x16xf32>,
      %swap3A_89 = vector.shape_cast %swap3A_88 : vector<1x16xf32> to vector<16xf32>
      %swap3A_90 = vector.shape_cast %broadcast_in_dim3A_85 : vector<16xf32> to vector<1x16xf32>
      tpu.vector_store %arg7[%swap3A_86, %swap3A_87], %swap3A_90 {strides = array<i32>} : memref<200x128xf32, #tpu.memory_space<vmem>>, vector<1x16xf32>,
      %broadcast_in_dim3A_91 = arith.constant 0.000000e+00 : f32
      %broadcast_in_dim3A_92 = vector.broadcast %broadcast_in_dim3A_91 : f32 to vector<16xf32>
      %swap3A_93 = arith.index_cast %scan3A_50 : i32 to index
      %swap3A_94 = arith.constant 96 : index
      %swap3A_95 = tpu.vector_load %arg7[%swap3A_93, %swap3A_94] {strides = array<i32>} : memref<200x128xf32, #tpu.memory_space<vmem>>, vector<1x16xf32>,
      %swap3A_96 = vector.shape_cast %swap3A_95 : vector<1x16xf32> to vector<16xf32>
      %swap3A_97 = vector.shape_cast %broadcast_in_dim3A_92 : vector<16xf32> to vector<1x16xf32>
      tpu.vector_store %arg7[%swap3A_93, %swap3A_94], %swap3A_97 {strides = array<i32>} : memref<200x128xf32, #tpu.memory_space<vmem>>, vector<1x16xf32>,
      %broadcast_in_dim3A_98 = arith.constant 0.000000e+00 : f32
      %broadcast_in_dim3A_99 = vector.broadcast %broadcast_in_dim3A_98 : f32 to vector<16xf32>
      %swap3A_100 = arith.index_cast %scan3A_50 : i32 to index
      %swap3A_101 = arith.constant 112 : index
      %swap3A_102 = tpu.vector_load %arg7[%swap3A_100, %swap3A_101] {strides = array<i32>} : memref<200x128xf32, #tpu.memory_space<vmem>>, vector<1x16xf32>,
      %swap3A_103 = vector.shape_cast %swap3A_102 : vector<1x16xf32> to vector<16xf32>
      %swap3A_104 = vector.shape_cast %broadcast_in_dim3A_99 : vector<16xf32> to vector<1x16xf32>
      tpu.vector_store %arg7[%swap3A_100, %swap3A_101], %swap3A_104 {strides = array<i32>} : memref<200x128xf32, #tpu.memory_space<vmem>>, vector<1x16xf32>,
    }
    %scan3A_6 = arith.constant 200 : i32
    %mul3A_7 = arith.constant 624 : i32
    %mul3A_8 = arith.muli %arg1, %mul3A_7 : i32
    %add3A_9 = arith.constant 0 : i32
    %add3A_10 = arith.addi %mul3A_8, %add3A_9 : i32
    "tpu.region"() ({
      %run_scoped3A_50 = tpu.sem_alloc : memref<!tpu.dma_semaphore, #tpu.memory_space<semaphore_mem>>
      %dma_start3A_51 = arith.constant 0 : i32
      %dma_start3A_52 = arith.constant 0 : i32
      %dma_start3A_53 = tpu.memref_slice %arg7[%dma_start3A_51, %dma_start3A_52] : memref<200x128xf32, #tpu.memory_space<vmem>> -> memref<200x128xf32, #tpu.memory_space<vmem>>
      %dma_start3A_54 = arith.constant 0 : i32
      %dma_start3A_55 = tpu.memref_slice %arg8[%add3A_10, %dma_start3A_54] : memref<10000x128xf32, #tpu.memory_space<vmem_shared>> -> memref<200x128xf32, #tpu.memory_space<vmem_shared>>
      %dma_start3A_56 = arith.constant 0 : i32
      %dma_start3A_57 = tpu.memref_slice %arg8[%add3A_10, %dma_start3A_56] : memref<10000x128xf32, #tpu.memory_space<vmem_shared>> -> memref<200x128xf32, #tpu.memory_space<vmem_shared>>
      %dma_start3A_58 = arith.constant 0 : i32
      %dma_start3A_59 = arith.constant 0 : i32
      %dma_start3A_60 = tpu.memref_slice %arg7[%dma_start3A_58, %dma_start3A_59] : memref<200x128xf32, #tpu.memory_space<vmem>> -> memref<200x128xf32, #tpu.memory_space<vmem>>
      tpu.enqueue_dma source(%dma_start3A_60 : memref<200x128xf32, #tpu.memory_space<vmem>>) target(%dma_start3A_57 : memref<200x128xf32, #tpu.memory_space<vmem_shared>>) target_semaphore(%run_scoped3A_50 : memref<!tpu.dma_semaphore, #tpu.memory_space<semaphore_mem>>)
      %dma_wait3A = arith.constant 0 : i32
      %dma_wait3A_61 = arith.constant 0 : i32
      %dma_wait3A_62 = tpu.memref_slice %arg7[%dma_wait3A, %dma_wait3A_61] : memref<200x128xf32, #tpu.memory_space<vmem>> -> memref<200x128xf32, #tpu.memory_space<vmem>>
      %dma_wait3A_63 = arith.constant 0 : i32
      %dma_wait3A_64 = tpu.memref_slice %arg8[%add3A_10, %dma_wait3A_63] : memref<10000x128xf32, #tpu.memory_space<vmem_shared>> -> memref<200x128xf32, #tpu.memory_space<vmem_shared>>
      %dma_wait3A_65 = arith.constant 0 : i32
      %dma_wait3A_66 = tpu.memref_slice %arg8[%add3A_10, %dma_wait3A_65] : memref<10000x128xf32, #tpu.memory_space<vmem_shared>> -> memref<200x128xf32, #tpu.memory_space<vmem_shared>>
      %dma_wait3A_67 = arith.constant 0 : i32
      %dma_wait3A_68 = arith.constant 0 : i32
      %dma_wait3A_69 = tpu.memref_slice %arg7[%dma_wait3A_67, %dma_wait3A_68] : memref<200x128xf32, #tpu.memory_space<vmem>> -> memref<200x128xf32, #tpu.memory_space<vmem>>
      tpu.wait_dma2 semaphore(%run_scoped3A_50 : memref<!tpu.dma_semaphore, #tpu.memory_space<semaphore_mem>>) src(%dma_wait3A_69 : memref<200x128xf32, #tpu.memory_space<vmem>>) dst(%dma_wait3A_66 : memref<200x128xf32, #tpu.memory_space<vmem_shared>>)
      tpu.yield
    }) : () -> ()
    %mul3A_11 = arith.constant 624 : i32
    %mul3A_12 = arith.muli %arg1, %mul3A_11 : i32
    %add3A_13 = arith.constant 200 : i32
    %add3A_14 = arith.addi %mul3A_12, %add3A_13 : i32
    "tpu.region"() ({
      %run_scoped3A_50 = tpu.sem_alloc : memref<!tpu.dma_semaphore, #tpu.memory_space<semaphore_mem>>
      %dma_start3A_51 = arith.constant 0 : i32
      %dma_start3A_52 = arith.constant 0 : i32
      %dma_start3A_53 = tpu.memref_slice %arg7[%dma_start3A_51, %dma_start3A_52] : memref<200x128xf32, #tpu.memory_space<vmem>> -> memref<200x128xf32, #tpu.memory_space<vmem>>
      %dma_start3A_54 = arith.constant 0 : i32
      %dma_start3A_55 = tpu.memref_slice %arg8[%add3A_14, %dma_start3A_54] : memref<10000x128xf32, #tpu.memory_space<vmem_shared>> -> memref<200x128xf32, #tpu.memory_space<vmem_shared>>
      %dma_start3A_56 = arith.constant 0 : i32
      %dma_start3A_57 = tpu.memref_slice %arg8[%add3A_14, %dma_start3A_56] : memref<10000x128xf32, #tpu.memory_space<vmem_shared>> -> memref<200x128xf32, #tpu.memory_space<vmem_shared>>
      %dma_start3A_58 = arith.constant 0 : i32
      %dma_start3A_59 = arith.constant 0 : i32
      %dma_start3A_60 = tpu.memref_slice %arg7[%dma_start3A_58, %dma_start3A_59] : memref<200x128xf32, #tpu.memory_space<vmem>> -> memref<200x128xf32, #tpu.memory_space<vmem>>
      tpu.enqueue_dma source(%dma_start3A_60 : memref<200x128xf32, #tpu.memory_space<vmem>>) target(%dma_start3A_57 : memref<200x128xf32, #tpu.memory_space<vmem_shared>>) target_semaphore(%run_scoped3A_50 : memref<!tpu.dma_semaphore, #tpu.memory_space<semaphore_mem>>)
      %dma_wait3A = arith.constant 0 : i32
      %dma_wait3A_61 = arith.constant 0 : i32
      %dma_wait3A_62 = tpu.memref_slice %arg7[%dma_wait3A, %dma_wait3A_61] : memref<200x128xf32, #tpu.memory_space<vmem>> -> memref<200x128xf32, #tpu.memory_space<vmem>>
      %dma_wait3A_63 = arith.constant 0 : i32
      %dma_wait3A_64 = tpu.memref_slice %arg8[%add3A_14, %dma_wait3A_63] : memref<10000x128xf32, #tpu.memory_space<vmem_shared>> -> memref<200x128xf32, #tpu.memory_space<vmem_shared>>
      %dma_wait3A_65 = arith.constant 0 : i32
      %dma_wait3A_66 = tpu.memref_slice %arg8[%add3A_14, %dma_wait3A_65] : memref<10000x128xf32, #tpu.memory_space<vmem_shared>> -> memref<200x128xf32, #tpu.memory_space<vmem_shared>>
      %dma_wait3A_67 = arith.constant 0 : i32
      %dma_wait3A_68 = arith.constant 0 : i32
      %dma_wait3A_69 = tpu.memref_slice %arg7[%dma_wait3A_67, %dma_wait3A_68] : memref<200x128xf32, #tpu.memory_space<vmem>> -> memref<200x128xf32, #tpu.memory_space<vmem>>
      tpu.wait_dma2 semaphore(%run_scoped3A_50 : memref<!tpu.dma_semaphore, #tpu.memory_space<semaphore_mem>>) src(%dma_wait3A_69 : memref<200x128xf32, #tpu.memory_space<vmem>>) dst(%dma_wait3A_66 : memref<200x128xf32, #tpu.memory_space<vmem_shared>>)
      tpu.yield
    }) : () -> ()
    %mul3A_15 = arith.constant 624 : i32
    %mul3A_16 = arith.muli %arg1, %mul3A_15 : i32
    %add3A_17 = arith.constant 400 : i32
    %add3A_18 = arith.addi %mul3A_16, %add3A_17 : i32
    "tpu.region"() ({
      %run_scoped3A_50 = tpu.sem_alloc : memref<!tpu.dma_semaphore, #tpu.memory_space<semaphore_mem>>
      %dma_start3A_51 = arith.constant 0 : i32
      %dma_start3A_52 = arith.constant 0 : i32
      %dma_start3A_53 = tpu.memref_slice %arg7[%dma_start3A_51, %dma_start3A_52] : memref<200x128xf32, #tpu.memory_space<vmem>> -> memref<200x128xf32, #tpu.memory_space<vmem>>
      %dma_start3A_54 = arith.constant 0 : i32
      %dma_start3A_55 = tpu.memref_slice %arg8[%add3A_18, %dma_start3A_54] : memref<10000x128xf32, #tpu.memory_space<vmem_shared>> -> memref<200x128xf32, #tpu.memory_space<vmem_shared>>
      %dma_start3A_56 = arith.constant 0 : i32
      %dma_start3A_57 = tpu.memref_slice %arg8[%add3A_18, %dma_start3A_56] : memref<10000x128xf32, #tpu.memory_space<vmem_shared>> -> memref<200x128xf32, #tpu.memory_space<vmem_shared>>
      %dma_start3A_58 = arith.constant 0 : i32
      %dma_start3A_59 = arith.constant 0 : i32
      %dma_start3A_60 = tpu.memref_slice %arg7[%dma_start3A_58, %dma_start3A_59] : memref<200x128xf32, #tpu.memory_space<vmem>> -> memref<200x128xf32, #tpu.memory_space<vmem>>
      tpu.enqueue_dma source(%dma_start3A_60 : memref<200x128xf32, #tpu.memory_space<vmem>>) target(%dma_start3A_57 : memref<200x128xf32, #tpu.memory_space<vmem_shared>>) target_semaphore(%run_scoped3A_50 : memref<!tpu.dma_semaphore, #tpu.memory_space<semaphore_mem>>)
      %dma_wait3A = arith.constant 0 : i32
      %dma_wait3A_61 = arith.constant 0 : i32
      %dma_wait3A_62 = tpu.memref_slice %arg7[%dma_wait3A, %dma_wait3A_61] : memref<200x128xf32, #tpu.memory_space<vmem>> -> memref<200x128xf32, #tpu.memory_space<vmem>>
      %dma_wait3A_63 = arith.constant 0 : i32
      %dma_wait3A_64 = tpu.memref_slice %arg8[%add3A_18, %dma_wait3A_63] : memref<10000x128xf32, #tpu.memory_space<vmem_shared>> -> memref<200x128xf32, #tpu.memory_space<vmem_shared>>
      %dma_wait3A_65 = arith.constant 0 : i32
      %dma_wait3A_66 = tpu.memref_slice %arg8[%add3A_18, %dma_wait3A_65] : memref<10000x128xf32, #tpu.memory_space<vmem_shared>> -> memref<200x128xf32, #tpu.memory_space<vmem_shared>>
      %dma_wait3A_67 = arith.constant 0 : i32
      %dma_wait3A_68 = arith.constant 0 : i32
      %dma_wait3A_69 = tpu.memref_slice %arg7[%dma_wait3A_67, %dma_wait3A_68] : memref<200x128xf32, #tpu.memory_space<vmem>> -> memref<200x128xf32, #tpu.memory_space<vmem>>
      tpu.wait_dma2 semaphore(%run_scoped3A_50 : memref<!tpu.dma_semaphore, #tpu.memory_space<semaphore_mem>>) src(%dma_wait3A_69 : memref<200x128xf32, #tpu.memory_space<vmem>>) dst(%dma_wait3A_66 : memref<200x128xf32, #tpu.memory_space<vmem_shared>>)
      tpu.yield
    }) : () -> ()
    %mul3A_19 = arith.constant 624 : i32
    %mul3A_20 = arith.muli %arg1, %mul3A_19 : i32
    %add3A_21 = arith.constant 600 : i32
    %add3A_22 = arith.addi %mul3A_20, %add3A_21 : i32
    "tpu.region"() ({
      %run_scoped3A_50 = tpu.sem_alloc : memref<!tpu.dma_semaphore, #tpu.memory_space<semaphore_mem>>
      %dma_start3A_51 = arith.constant 0 : i32
      %dma_start3A_52 = arith.constant 0 : i32
      %dma_start3A_53 = tpu.memref_slice %arg7[%dma_start3A_51, %dma_start3A_52] : memref<200x128xf32, #tpu.memory_space<vmem>> -> memref<24x128xf32, #tpu.memory_space<vmem>>
      %dma_start3A_54 = arith.constant 0 : i32
      %dma_start3A_55 = tpu.memref_slice %arg8[%add3A_22, %dma_start3A_54] : memref<10000x128xf32, #tpu.memory_space<vmem_shared>> -> memref<24x128xf32, #tpu.memory_space<vmem_shared>>
      %dma_start3A_56 = arith.constant 0 : i32
      %dma_start3A_57 = tpu.memref_slice %arg8[%add3A_22, %dma_start3A_56] : memref<10000x128xf32, #tpu.memory_space<vmem_shared>> -> memref<24x128xf32, #tpu.memory_space<vmem_shared>>
      %dma_start3A_58 = arith.constant 0 : i32
      %dma_start3A_59 = arith.constant 0 : i32
      %dma_start3A_60 = tpu.memref_slice %arg7[%dma_start3A_58, %dma_start3A_59] : memref<200x128xf32, #tpu.memory_space<vmem>> -> memref<24x128xf32, #tpu.memory_space<vmem>>
      tpu.enqueue_dma source(%dma_start3A_60 : memref<24x128xf32, #tpu.memory_space<vmem>>) target(%dma_start3A_57 : memref<24x128xf32, #tpu.memory_space<vmem_shared>>) target_semaphore(%run_scoped3A_50 : memref<!tpu.dma_semaphore, #tpu.memory_space<semaphore_mem>>)
      %dma_wait3A = arith.constant 0 : i32
      %dma_wait3A_61 = arith.constant 0 : i32
      %dma_wait3A_62 = tpu.memref_slice %arg7[%dma_wait3A, %dma_wait3A_61] : memref<200x128xf32, #tpu.memory_space<vmem>> -> memref<24x128xf32, #tpu.memory_space<vmem>>
      %dma_wait3A_63 = arith.constant 0 : i32
      %dma_wait3A_64 = tpu.memref_slice %arg8[%add3A_22, %dma_wait3A_63] : memref<10000x128xf32, #tpu.memory_space<vmem_shared>> -> memref<24x128xf32, #tpu.memory_space<vmem_shared>>
      %dma_wait3A_65 = arith.constant 0 : i32
      %dma_wait3A_66 = tpu.memref_slice %arg8[%add3A_22, %dma_wait3A_65] : memref<10000x128xf32, #tpu.memory_space<vmem_shared>> -> memref<24x128xf32, #tpu.memory_space<vmem_shared>>
      %dma_wait3A_67 = arith.constant 0 : i32
      %dma_wait3A_68 = arith.constant 0 : i32
      %dma_wait3A_69 = tpu.memref_slice %arg7[%dma_wait3A_67, %dma_wait3A_68] : memref<200x128xf32, #tpu.memory_space<vmem>> -> memref<24x128xf32, #tpu.memory_space<vmem>>
      tpu.wait_dma2 semaphore(%run_scoped3A_50 : memref<!tpu.dma_semaphore, #tpu.memory_space<semaphore_mem>>) src(%dma_wait3A_69 : memref<24x128xf32, #tpu.memory_space<vmem>>) dst(%dma_wait3A_66 : memref<24x128xf32, #tpu.memory_space<vmem_shared>>)
      tpu.yield
    }) : () -> ()
    %eq3A = arith.constant 15 : i32
    %eq3A_23 = arith.cmpi eq, %arg1, %eq3A : i32
    %convert_element_type3A = arith.extui %eq3A_23 : i1 to i32
    %cond3A = arith.constant 0 : i32
    %cond3A_24 = arith.cmpi ne, %convert_element_type3A, %cond3A : i32
    scf.if %cond3A_24 {
      "tpu.region"() ({
        %run_scoped3A_50 = tpu.sem_alloc : memref<!tpu.dma_semaphore, #tpu.memory_space<semaphore_mem>>
        %dma_start3A_51 = arith.constant 0 : i32
        %dma_start3A_52 = arith.constant 0 : i32
        %dma_start3A_53 = tpu.memref_slice %arg7[%dma_start3A_51, %dma_start3A_52] : memref<200x128xf32, #tpu.memory_space<vmem>> -> memref<16x128xf32, #tpu.memory_space<vmem>>
        %dma_start3A_54 = arith.constant 9984 : i32
        %dma_start3A_55 = arith.constant 0 : i32
        %dma_start3A_56 = tpu.memref_slice %arg8[%dma_start3A_54, %dma_start3A_55] : memref<10000x128xf32, #tpu.memory_space<vmem_shared>> -> memref<16x128xf32, #tpu.memory_space<vmem_shared>>
        %dma_start3A_57 = arith.constant 9984 : i32
        %dma_start3A_58 = arith.constant 0 : i32
        %dma_start3A_59 = tpu.memref_slice %arg8[%dma_start3A_57, %dma_start3A_58] : memref<10000x128xf32, #tpu.memory_space<vmem_shared>> -> memref<16x128xf32, #tpu.memory_space<vmem_shared>>
        %dma_start3A_60 = arith.constant 0 : i32
        %dma_start3A_61 = arith.constant 0 : i32
        %dma_start3A_62 = tpu.memref_slice %arg7[%dma_start3A_60, %dma_start3A_61] : memref<200x128xf32, #tpu.memory_space<vmem>> -> memref<16x128xf32, #tpu.memory_space<vmem>>
        tpu.enqueue_dma source(%dma_start3A_62 : memref<16x128xf32, #tpu.memory_space<vmem>>) target(%dma_start3A_59 : memref<16x128xf32, #tpu.memory_space<vmem_shared>>) target_semaphore(%run_scoped3A_50 : memref<!tpu.dma_semaphore, #tpu.memory_space<semaphore_mem>>)
        %dma_wait3A = arith.constant 0 : i32
        %dma_wait3A_63 = arith.constant 0 : i32
        %dma_wait3A_64 = tpu.memref_slice %arg7[%dma_wait3A, %dma_wait3A_63] : memref<200x128xf32, #tpu.memory_space<vmem>> -> memref<16x128xf32, #tpu.memory_space<vmem>>
        %dma_wait3A_65 = arith.constant 9984 : i32
        %dma_wait3A_66 = arith.constant 0 : i32
        %dma_wait3A_67 = tpu.memref_slice %arg8[%dma_wait3A_65, %dma_wait3A_66] : memref<10000x128xf32, #tpu.memory_space<vmem_shared>> -> memref<16x128xf32, #tpu.memory_space<vmem_shared>>
        %dma_wait3A_68 = arith.constant 9984 : i32
        %dma_wait3A_69 = arith.constant 0 : i32
        %dma_wait3A_70 = tpu.memref_slice %arg8[%dma_wait3A_68, %dma_wait3A_69] : memref<10000x128xf32, #tpu.memory_space<vmem_shared>> -> memref<16x128xf32, #tpu.memory_space<vmem_shared>>
        %dma_wait3A_71 = arith.constant 0 : i32
        %dma_wait3A_72 = arith.constant 0 : i32
        %dma_wait3A_73 = tpu.memref_slice %arg7[%dma_wait3A_71, %dma_wait3A_72] : memref<200x128xf32, #tpu.memory_space<vmem>> -> memref<16x128xf32, #tpu.memory_space<vmem>>
        tpu.wait_dma2 semaphore(%run_scoped3A_50 : memref<!tpu.dma_semaphore, #tpu.memory_space<semaphore_mem>>) src(%dma_wait3A_73 : memref<16x128xf32, #tpu.memory_space<vmem>>) dst(%dma_wait3A_70 : memref<16x128xf32, #tpu.memory_space<vmem_shared>>)
        tpu.yield
      }) : () -> ()
    } else {
    }
    %barrier3A = arith.constant 0 : index
    tpu.barrier barrier_id(%barrier3A)
    %dma_start3A = arith.constant 0 : i32
    %dma_start3A_25 = arith.constant 0 : i32
    %dma_start3A_26 = arith.constant 0 : i32
    %dma_start3A_27 = tpu.memref_slice %arg7[%dma_start3A_25, %dma_start3A_26] : memref<200x128xf32, #tpu.memory_space<vmem>> -> memref<100x128xf32, #tpu.memory_space<vmem>>
    %dma_start3A_28 = arith.constant 0 : i32
    %dma_start3A_29 = tpu.memref_slice %arg5[%dma_start3A, %dma_start3A_28] : memref<100x100xi32, #tpu.memory_space<vmem>> -> memref<1x100xi32, #tpu.memory_space<vmem>>
    %dma_start3A_30 = tpu.memref_squeeze %dma_start3A_29 : memref<1x100xi32, #tpu.memory_space<vmem>> -> memref<100xi32, #tpu.memory_space<vmem>>
    %dma_start3A_31 = arith.constant 0 : i32
    %dma_start3A_32 = arith.constant 0 : i32
    %dma_start3A_33 = tpu.memref_slice %arg3[%dma_start3A_31, %dma_start3A_32] : memref<10000x128xf32, #tpu.memory_space<hbm>> -> memref<10000x128xf32, #tpu.memory_space<hbm>>
    tpu.enqueue_indirect_dma source(%dma_start3A_33 : memref<10000x128xf32, #tpu.memory_space<hbm>>) target(%dma_start3A_27 : memref<100x128xf32, #tpu.memory_space<vmem>>) offsets(%dma_start3A_30 : memref<100xi32, #tpu.memory_space<vmem>>) semaphore(%arg9 : memref<!tpu.dma_semaphore, #tpu.memory_space<semaphore_mem>>)
    %scan3A_34 = arith.constant 0 : i32
    %scan3A_35 = arith.constant 0 : i32
    %scan3A_36 = arith.constant 50 : i32
    %scan3A_37 = arith.addi %scan3A_35, %scan3A_36 : i32
    %scan3A_38 = arith.constant 1 : i32
    scf.for %scan3A_50 = %scan3A_35 to %scan3A_37 step %scan3A_38  : i32 {
      %mul3A_51 = arith.constant 2 : i32
      %mul3A_52 = arith.muli %scan3A_50, %mul3A_51 : i32
      %mul3A_53 = arith.constant 1 : i32
      %mul3A_54 = arith.muli %mul3A_52, %mul3A_53 : i32
      %add3A_55 = arith.constant 1 : i32
      %add3A_56 = arith.addi %mul3A_54, %add3A_55 : i32
      %add3A_57 = arith.constant 0 : i32
      %add3A_58 = arith.addi %add3A_56, %add3A_57 : i32
      %dma_start3A_59 = arith.constant 100 : i32
      %dma_start3A_60 = arith.constant 0 : i32
      %dma_start3A_61 = tpu.memref_slice %arg7[%dma_start3A_59, %dma_start3A_60] : memref<200x128xf32, #tpu.memory_space<vmem>> -> memref<100x128xf32, #tpu.memory_space<vmem>>
      %dma_start3A_62 = arith.constant 0 : i32
      %dma_start3A_63 = tpu.memref_slice %arg5[%add3A_58, %dma_start3A_62] : memref<100x100xi32, #tpu.memory_space<vmem>> -> memref<1x100xi32, #tpu.memory_space<vmem>>
      %dma_start3A_64 = tpu.memref_squeeze %dma_start3A_63 : memref<1x100xi32, #tpu.memory_space<vmem>> -> memref<100xi32, #tpu.memory_space<vmem>>
      %dma_start3A_65 = arith.constant 0 : i32
      %dma_start3A_66 = arith.constant 0 : i32
      %dma_start3A_67 = tpu.memref_slice %arg3[%dma_start3A_65, %dma_start3A_66] : memref<10000x128xf32, #tpu.memory_space<hbm>> -> memref<10000x128xf32, #tpu.memory_space<hbm>>
      tpu.enqueue_indirect_dma source(%dma_start3A_67 : memref<10000x128xf32, #tpu.memory_space<hbm>>) target(%dma_start3A_61 : memref<100x128xf32, #tpu.memory_space<vmem>>) offsets(%dma_start3A_64 : memref<100xi32, #tpu.memory_space<vmem>>) semaphore(%arg10 : memref<!tpu.dma_semaphore, #tpu.memory_space<semaphore_mem>>)
      %dma_wait3A = arith.constant 0 : i32
      %dma_wait3A_68 = arith.constant 0 : i32
      %dma_wait3A_69 = arith.constant 0 : i32
      %dma_wait3A_70 = tpu.memref_slice %arg7[%dma_wait3A_68, %dma_wait3A_69] : memref<200x128xf32, #tpu.memory_space<vmem>> -> memref<100x128xf32, #tpu.memory_space<vmem>>
      %dma_wait3A_71 = arith.constant 0 : i32
      %dma_wait3A_72 = tpu.memref_slice %arg5[%dma_wait3A, %dma_wait3A_71] : memref<100x100xi32, #tpu.memory_space<vmem>> -> memref<1x100xi32, #tpu.memory_space<vmem>>
      %dma_wait3A_73 = tpu.memref_squeeze %dma_wait3A_72 : memref<1x100xi32, #tpu.memory_space<vmem>> -> memref<100xi32, #tpu.memory_space<vmem>>
      %dma_wait3A_74 = arith.constant 0 : i32
      %dma_wait3A_75 = arith.constant 0 : i32
      %dma_wait3A_76 = tpu.memref_slice %arg3[%dma_wait3A_74, %dma_wait3A_75] : memref<10000x128xf32, #tpu.memory_space<hbm>> -> memref<10000x128xf32, #tpu.memory_space<hbm>>
      tpu.wait_indirect_dma semaphore(%arg9 : memref<!tpu.dma_semaphore, #tpu.memory_space<semaphore_mem>>) src(%dma_wait3A_76 : memref<10000x128xf32, #tpu.memory_space<hbm>>) dst(%dma_wait3A_70 : memref<100x128xf32, #tpu.memory_space<vmem>>)
      %add3A_77 = arith.constant 0 : i32
      %add3A_78 = arith.addi %mul3A_54, %add3A_77 : i32
      %dma_start3A_79 = arith.constant 0 : i32
      %dma_start3A_80 = arith.constant 0 : i32
      %dma_start3A_81 = tpu.memref_slice %arg7[%dma_start3A_79, %dma_start3A_80] : memref<200x128xf32, #tpu.memory_space<vmem>> -> memref<100x128xf32, #tpu.memory_space<vmem>>
      %dma_start3A_82 = arith.constant 0 : i32
      %dma_start3A_83 = tpu.memref_slice %arg6[%add3A_78, %dma_start3A_82] : memref<100x100xi32, #tpu.memory_space<vmem>> -> memref<1x100xi32, #tpu.memory_space<vmem>>
      %dma_start3A_84 = tpu.memref_squeeze %dma_start3A_83 : memref<1x100xi32, #tpu.memory_space<vmem>> -> memref<100xi32, #tpu.memory_space<vmem>>
      %dma_start3A_85 = arith.constant 0 : i32
      %dma_start3A_86 = arith.constant 0 : i32
      %dma_start3A_87 = tpu.memref_slice %arg8[%dma_start3A_85, %dma_start3A_86] : memref<10000x128xf32, #tpu.memory_space<vmem_shared>> -> memref<10000x128xf32, #tpu.memory_space<vmem_shared>>
      tpu.enqueue_indirect_dma source(%dma_start3A_81 : memref<100x128xf32, #tpu.memory_space<vmem>>) target(%dma_start3A_87 : memref<10000x128xf32, #tpu.memory_space<vmem_shared>>) offsets(%dma_start3A_84 : memref<100xi32, #tpu.memory_space<vmem>>) semaphore(%arg11 : memref<!tpu.dma_semaphore, #tpu.memory_space<semaphore_mem>>) {add = true}
      %dma_wait3A_88 = arith.constant 0 : i32
      %dma_wait3A_89 = arith.constant 100 : i32
      %dma_wait3A_90 = arith.constant 0 : i32
      %dma_wait3A_91 = tpu.memref_slice %arg7[%dma_wait3A_89, %dma_wait3A_90] : memref<200x128xf32, #tpu.memory_space<vmem>> -> memref<100x128xf32, #tpu.memory_space<vmem>>
      %dma_wait3A_92 = arith.constant 0 : i32
      %dma_wait3A_93 = tpu.memref_slice %arg5[%dma_wait3A_88, %dma_wait3A_92] : memref<100x100xi32, #tpu.memory_space<vmem>> -> memref<1x100xi32, #tpu.memory_space<vmem>>
      %dma_wait3A_94 = tpu.memref_squeeze %dma_wait3A_93 : memref<1x100xi32, #tpu.memory_space<vmem>> -> memref<100xi32, #tpu.memory_space<vmem>>
      %dma_wait3A_95 = arith.constant 0 : i32
      %dma_wait3A_96 = arith.constant 0 : i32
      %dma_wait3A_97 = tpu.memref_slice %arg3[%dma_wait3A_95, %dma_wait3A_96] : memref<10000x128xf32, #tpu.memory_space<hbm>> -> memref<10000x128xf32, #tpu.memory_space<hbm>>
      tpu.wait_indirect_dma semaphore(%arg10 : memref<!tpu.dma_semaphore, #tpu.memory_space<semaphore_mem>>) src(%dma_wait3A_97 : memref<10000x128xf32, #tpu.memory_space<hbm>>) dst(%dma_wait3A_91 : memref<100x128xf32, #tpu.memory_space<vmem>>)
      %add3A_98 = arith.constant 1 : i32
      %add3A_99 = arith.addi %mul3A_54, %add3A_98 : i32
      %add3A_100 = arith.constant 0 : i32
      %add3A_101 = arith.addi %add3A_99, %add3A_100 : i32
      %dma_start3A_102 = arith.constant 100 : i32
      %dma_start3A_103 = arith.constant 0 : i32
      %dma_start3A_104 = tpu.memref_slice %arg7[%dma_start3A_102, %dma_start3A_103] : memref<200x128xf32, #tpu.memory_space<vmem>> -> memref<100x128xf32, #tpu.memory_space<vmem>>
      %dma_start3A_105 = arith.constant 0 : i32
      %dma_start3A_106 = tpu.memref_slice %arg6[%add3A_101, %dma_start3A_105] : memref<100x100xi32, #tpu.memory_space<vmem>> -> memref<1x100xi32, #tpu.memory_space<vmem>>
      %dma_start3A_107 = tpu.memref_squeeze %dma_start3A_106 : memref<1x100xi32, #tpu.memory_space<vmem>> -> memref<100xi32, #tpu.memory_space<vmem>>
      %dma_start3A_108 = arith.constant 0 : i32
      %dma_start3A_109 = arith.constant 0 : i32
      %dma_start3A_110 = tpu.memref_slice %arg8[%dma_start3A_108, %dma_start3A_109] : memref<10000x128xf32, #tpu.memory_space<vmem_shared>> -> memref<10000x128xf32, #tpu.memory_space<vmem_shared>>
      tpu.enqueue_indirect_dma source(%dma_start3A_104 : memref<100x128xf32, #tpu.memory_space<vmem>>) target(%dma_start3A_110 : memref<10000x128xf32, #tpu.memory_space<vmem_shared>>) offsets(%dma_start3A_107 : memref<100xi32, #tpu.memory_space<vmem>>) semaphore(%arg12 : memref<!tpu.dma_semaphore, #tpu.memory_space<semaphore_mem>>) {add = true}
      %dma_wait3A_111 = arith.constant 0 : i32
      %dma_wait3A_112 = arith.constant 0 : i32
      %dma_wait3A_113 = arith.constant 0 : i32
      %dma_wait3A_114 = tpu.memref_slice %arg7[%dma_wait3A_112, %dma_wait3A_113] : memref<200x128xf32, #tpu.memory_space<vmem>> -> memref<100x128xf32, #tpu.memory_space<vmem>>
      %dma_wait3A_115 = arith.constant 0 : i32
      %dma_wait3A_116 = tpu.memref_slice %arg6[%dma_wait3A_111, %dma_wait3A_115] : memref<100x100xi32, #tpu.memory_space<vmem>> -> memref<1x100xi32, #tpu.memory_space<vmem>>
      %dma_wait3A_117 = tpu.memref_squeeze %dma_wait3A_116 : memref<1x100xi32, #tpu.memory_space<vmem>> -> memref<100xi32, #tpu.memory_space<vmem>>
      %dma_wait3A_118 = arith.constant 0 : i32
      %dma_wait3A_119 = arith.constant 0 : i32
      %dma_wait3A_120 = tpu.memref_slice %arg8[%dma_wait3A_118, %dma_wait3A_119] : memref<10000x128xf32, #tpu.memory_space<vmem_shared>> -> memref<10000x128xf32, #tpu.memory_space<vmem_shared>>
      tpu.wait_indirect_dma semaphore(%arg11 : memref<!tpu.dma_semaphore, #tpu.memory_space<semaphore_mem>>) src(%dma_wait3A_114 : memref<100x128xf32, #tpu.memory_space<vmem>>) dst(%dma_wait3A_120 : memref<10000x128xf32, #tpu.memory_space<vmem_shared>>)
      %lt3A = arith.constant 49 : i32
      %lt3A_121 = arith.cmpi slt, %scan3A_50, %lt3A : i32
      %convert_element_type3A_122 = arith.extui %lt3A_121 : i1 to i32
      %cond3A_123 = arith.constant 0 : i32
      %cond3A_124 = arith.cmpi ne, %convert_element_type3A_122, %cond3A_123 : i32
      scf.if %cond3A_124 {
        %add3A_135 = arith.constant 2 : i32
        %add3A_136 = arith.addi %mul3A_54, %add3A_135 : i32
        %add3A_137 = arith.constant 0 : i32
        %add3A_138 = arith.addi %add3A_136, %add3A_137 : i32
        %dma_start3A_139 = arith.constant 0 : i32
        %dma_start3A_140 = arith.constant 0 : i32
        %dma_start3A_141 = tpu.memref_slice %arg7[%dma_start3A_139, %dma_start3A_140] : memref<200x128xf32, #tpu.memory_space<vmem>> -> memref<100x128xf32, #tpu.memory_space<vmem>>
        %dma_start3A_142 = arith.constant 0 : i32
        %dma_start3A_143 = tpu.memref_slice %arg5[%add3A_138, %dma_start3A_142] : memref<100x100xi32, #tpu.memory_space<vmem>> -> memref<1x100xi32, #tpu.memory_space<vmem>>
        %dma_start3A_144 = tpu.memref_squeeze %dma_start3A_143 : memref<1x100xi32, #tpu.memory_space<vmem>> -> memref<100xi32, #tpu.memory_space<vmem>>
        %dma_start3A_145 = arith.constant 0 : i32
        %dma_start3A_146 = arith.constant 0 : i32
        %dma_start3A_147 = tpu.memref_slice %arg3[%dma_start3A_145, %dma_start3A_146] : memref<10000x128xf32, #tpu.memory_space<hbm>> -> memref<10000x128xf32, #tpu.memory_space<hbm>>
        tpu.enqueue_indirect_dma source(%dma_start3A_147 : memref<10000x128xf32, #tpu.memory_space<hbm>>) target(%dma_start3A_141 : memref<100x128xf32, #tpu.memory_space<vmem>>) offsets(%dma_start3A_144 : memref<100xi32, #tpu.memory_space<vmem>>) semaphore(%arg9 : memref<!tpu.dma_semaphore, #tpu.memory_space<semaphore_mem>>)
      } else {
      }
      %dma_wait3A_125 = arith.constant 0 : i32
      %dma_wait3A_126 = arith.constant 100 : i32
      %dma_wait3A_127 = arith.constant 0 : i32
      %dma_wait3A_128 = tpu.memref_slice %arg7[%dma_wait3A_126, %dma_wait3A_127] : memref<200x128xf32, #tpu.memory_space<vmem>> -> memref<100x128xf32, #tpu.memory_space<vmem>>
      %dma_wait3A_129 = arith.constant 0 : i32
      %dma_wait3A_130 = tpu.memref_slice %arg6[%dma_wait3A_125, %dma_wait3A_129] : memref<100x100xi32, #tpu.memory_space<vmem>> -> memref<1x100xi32, #tpu.memory_space<vmem>>
      %dma_wait3A_131 = tpu.memref_squeeze %dma_wait3A_130 : memref<1x100xi32, #tpu.memory_space<vmem>> -> memref<100xi32, #tpu.memory_space<vmem>>
      %dma_wait3A_132 = arith.constant 0 : i32
      %dma_wait3A_133 = arith.constant 0 : i32
      %dma_wait3A_134 = tpu.memref_slice %arg8[%dma_wait3A_132, %dma_wait3A_133] : memref<10000x128xf32, #tpu.memory_space<vmem_shared>> -> memref<10000x128xf32, #tpu.memory_space<vmem_shared>>
      tpu.wait_indirect_dma semaphore(%arg12 : memref<!tpu.dma_semaphore, #tpu.memory_space<semaphore_mem>>) src(%dma_wait3A_128 : memref<100x128xf32, #tpu.memory_space<vmem>>) dst(%dma_wait3A_134 : memref<10000x128xf32, #tpu.memory_space<vmem_shared>>)
    }
    %scan3A_39 = arith.constant 50 : i32
    %barrier3A_40 = arith.constant 0 : index
    tpu.barrier barrier_id(%barrier3A_40)
    %mul3A_41 = arith.constant 624 : i32
    %mul3A_42 = arith.muli %arg1, %mul3A_41 : i32
    %mul3A_43 = arith.constant 624 : i32
    %mul3A_44 = arith.muli %arg1, %mul3A_43 : i32
    "tpu.region"() ({
      %run_scoped3A_50 = tpu.sem_alloc : memref<!tpu.dma_semaphore, #tpu.memory_space<semaphore_mem>>
      %dma_start3A_51 = arith.constant 0 : i32
      %dma_start3A_52 = tpu.memref_slice %arg4[%arg0, %mul3A_44, %dma_start3A_51] : memref<2x10000x128xf32, #tpu.memory_space<hbm>> -> memref<1x624x128xf32, #tpu.memory_space<hbm>>
      %dma_start3A_53 = tpu.memref_squeeze %dma_start3A_52 : memref<1x624x128xf32, #tpu.memory_space<hbm>> -> memref<624x128xf32, #tpu.memory_space<hbm>>
      %dma_start3A_54 = arith.constant 0 : i32
      %dma_start3A_55 = tpu.memref_slice %arg8[%mul3A_42, %dma_start3A_54] : memref<10000x128xf32, #tpu.memory_space<vmem_shared>> -> memref<624x128xf32, #tpu.memory_space<vmem_shared>>
      tpu.enqueue_dma source(%dma_start3A_55 : memref<624x128xf32, #tpu.memory_space<vmem_shared>>) target(%dma_start3A_53 : memref<624x128xf32, #tpu.memory_space<hbm>>) target_semaphore(%run_scoped3A_50 : memref<!tpu.dma_semaphore, #tpu.memory_space<semaphore_mem>>)
      %dma_wait3A = arith.constant 0 : i32
      %dma_wait3A_56 = tpu.memref_slice %arg4[%arg0, %mul3A_44, %dma_wait3A] : memref<2x10000x128xf32, #tpu.memory_space<hbm>> -> memref<1x624x128xf32, #tpu.memory_space<hbm>>
      %dma_wait3A_57 = tpu.memref_squeeze %dma_wait3A_56 : memref<1x624x128xf32, #tpu.memory_space<hbm>> -> memref<624x128xf32, #tpu.memory_space<hbm>>
      %dma_wait3A_58 = arith.constant 0 : i32
      %dma_wait3A_59 = tpu.memref_slice %arg8[%mul3A_42, %dma_wait3A_58] : memref<10000x128xf32, #tpu.memory_space<vmem_shared>> -> memref<624x128xf32, #tpu.memory_space<vmem_shared>>
      tpu.wait_dma2 semaphore(%run_scoped3A_50 : memref<!tpu.dma_semaphore, #tpu.memory_space<semaphore_mem>>) src(%dma_wait3A_59 : memref<624x128xf32, #tpu.memory_space<vmem_shared>>) dst(%dma_wait3A_57 : memref<624x128xf32, #tpu.memory_space<hbm>>)
      tpu.yield
    }) : () -> ()
    %eq3A_45 = arith.constant 15 : i32
    %eq3A_46 = arith.cmpi eq, %arg1, %eq3A_45 : i32
    %convert_element_type3A_47 = arith.extui %eq3A_46 : i1 to i32
    %cond3A_48 = arith.constant 0 : i32
    %cond3A_49 = arith.cmpi ne, %convert_element_type3A_47, %cond3A_48 : i32
    scf.if %cond3A_49 {
      "tpu.region"() ({
        %run_scoped3A_50 = tpu.sem_alloc : memref<!tpu.dma_semaphore, #tpu.memory_space<semaphore_mem>>
        %dma_start3A_51 = arith.constant 9984 : i32
        %dma_start3A_52 = arith.constant 0 : i32
        %dma_start3A_53 = tpu.memref_slice %arg4[%arg0, %dma_start3A_51, %dma_start3A_52] : memref<2x10000x128xf32, #tpu.memory_space<hbm>> -> memref<1x16x128xf32, #tpu.memory_space<hbm>>
        %dma_start3A_54 = tpu.memref_squeeze %dma_start3A_53 : memref<1x16x128xf32, #tpu.memory_space<hbm>> -> memref<16x128xf32, #tpu.memory_space<hbm>>
        %dma_start3A_55 = arith.constant 9984 : i32
        %dma_start3A_56 = arith.constant 0 : i32
        %dma_start3A_57 = tpu.memref_slice %arg8[%dma_start3A_55, %dma_start3A_56] : memref<10000x128xf32, #tpu.memory_space<vmem_shared>> -> memref<16x128xf32, #tpu.memory_space<vmem_shared>>
        tpu.enqueue_dma source(%dma_start3A_57 : memref<16x128xf32, #tpu.memory_space<vmem_shared>>) target(%dma_start3A_54 : memref<16x128xf32, #tpu.memory_space<hbm>>) target_semaphore(%run_scoped3A_50 : memref<!tpu.dma_semaphore, #tpu.memory_space<semaphore_mem>>)
        %dma_wait3A = arith.constant 9984 : i32
        %dma_wait3A_58 = arith.constant 0 : i32
        %dma_wait3A_59 = tpu.memref_slice %arg4[%arg0, %dma_wait3A, %dma_wait3A_58] : memref<2x10000x128xf32, #tpu.memory_space<hbm>> -> memref<1x16x128xf32, #tpu.memory_space<hbm>>
        %dma_wait3A_60 = tpu.memref_squeeze %dma_wait3A_59 : memref<1x16x128xf32, #tpu.memory_space<hbm>> -> memref<16x128xf32, #tpu.memory_space<hbm>>
        %dma_wait3A_61 = arith.constant 9984 : i32
        %dma_wait3A_62 = arith.constant 0 : i32
        %dma_wait3A_63 = tpu.memref_slice %arg8[%dma_wait3A_61, %dma_wait3A_62] : memref<10000x128xf32, #tpu.memory_space<vmem_shared>> -> memref<16x128xf32, #tpu.memory_space<vmem_shared>>
        tpu.wait_dma2 semaphore(%run_scoped3A_50 : memref<!tpu.dma_semaphore, #tpu.memory_space<semaphore_mem>>) src(%dma_wait3A_63 : memref<16x128xf32, #tpu.memory_space<vmem_shared>>) dst(%dma_wait3A_60 : memref<16x128xf32, #tpu.memory_space<hbm>>)
        tpu.yield
      }) : () -> ()
    } else {
    }
    return
  }
}

#map = affine_map<(d0, d1) -> (0, 0, 0, 0)>
#map1 = affine_map<(d0, d1) -> (0, 0)>
#map2 = affine_map<(d0, d1) -> (0, 0, 0)>
module attributes {stable_mosaic.version = 14 : i64} {
  func.func @k(%arg0: i32, %arg1: i32, %arg2: memref<2x32x100x100xi32, #tpu.memory_space<hbm>>, %arg3: memref<10000x128xf32, #tpu.memory_space<hbm>>, %arg4: memref<2x10000x128xf32, #tpu.memory_space<hbm>>, %arg5: memref<100x100xi32, #tpu.memory_space<vmem>>, %arg6: memref<100x100xi32, #tpu.memory_space<vmem>>, %arg7: memref<200x128xf32, #tpu.memory_space<vmem>>, %arg8: memref<10000x128xf32, #tpu.memory_space<vmem_shared>>, %arg9: memref<!tpu.dma_semaphore, #tpu.memory_space<semaphore_mem>>, %arg10: memref<!tpu.dma_semaphore, #tpu.memory_space<semaphore_mem>>, %arg11: memref<!tpu.dma_semaphore, #tpu.memory_space<semaphore_mem>>, %arg12: memref<!tpu.dma_semaphore, #tpu.memory_space<semaphore_mem>>) attributes {dimension_semantics = [#tpu.dimension_semantics<core_parallel>, #tpu.dimension_semantics<subcore_parallel>], iteration_bounds = array<i64: 2, 16>, scalar_prefetch = 0 : i64, scratch_operands = 8 : i64, tpu.core_type = #tpu.core_type<sc_vector_subcore>, window_params = [{transform_indices = #map}, {transform_indices = #map1}, {transform_indices = #map2}]} {
    %mul3A = arith.constant 16 : i32
    %mul3A_0 = arith.muli %arg0, %mul3A : i32
    %add3A = arith.addi %mul3A_0, %arg1 : i32
    %run_scoped3A = arith.constant 0 : i32
    "tpu.region"() ({
      %run_scoped3A_50 = tpu.sem_alloc : memref<!tpu.dma_semaphore, #tpu.memory_space<semaphore_mem>>
      %dma_start3A_51 = arith.constant 0 : i32
      %dma_start3A_52 = arith.constant 0 : i32
      %dma_start3A_53 = tpu.memref_slice %arg2[%run_scoped3A, %add3A, %dma_start3A_51, %dma_start3A_52] : memref<2x32x100x100xi32, #tpu.memory_space<hbm>> -> memref<1x1x100x100xi32, #tpu.memory_space<hbm>>
      %dma_start3A_54 = tpu.memref_squeeze %dma_start3A_53 : memref<1x1x100x100xi32, #tpu.memory_space<hbm>> -> memref<100x100xi32, #tpu.memory_space<hbm>>
      %dma_start3A_55 = arith.constant 0 : i32
      %dma_start3A_56 = arith.constant 0 : i32
      %dma_start3A_57 = tpu.memref_slice %arg2[%run_scoped3A, %add3A, %dma_start3A_55, %dma_start3A_56] : memref<2x32x100x100xi32, #tpu.memory_space<hbm>> -> memref<1x1x100x100xi32, #tpu.memory_space<hbm>>
      %dma_start3A_58 = tpu.memref_squeeze %dma_start3A_57 : memref<1x1x100x100xi32, #tpu.memory_space<hbm>> -> memref<100x100xi32, #tpu.memory_space<hbm>>
      tpu.enqueue_dma source(%dma_start3A_58 : memref<100x100xi32, #tpu.memory_space<hbm>>) target(%arg5 : memref<100x100xi32, #tpu.memory_space<vmem>>) target_semaphore(%run_scoped3A_50 : memref<!tpu.dma_semaphore, #tpu.memory_space<semaphore_mem>>)
      %dma_wait3A = arith.constant 0 : i32
      %dma_wait3A_59 = arith.constant 0 : i32
      %dma_wait3A_60 = tpu.memref_slice %arg2[%run_scoped3A, %add3A, %dma_wait3A, %dma_wait3A_59] : memref<2x32x100x100xi32, #tpu.memory_space<hbm>> -> memref<1x1x100x100xi32, #tpu.memory_space<hbm>>
      %dma_wait3A_61 = tpu.memref_squeeze %dma_wait3A_60 : memref<1x1x100x100xi32, #tpu.memory_space<hbm>> -> memref<100x100xi32, #tpu.memory_space<hbm>>
      %dma_wait3A_62 = arith.constant 0 : i32
      %dma_wait3A_63 = arith.constant 0 : i32
      %dma_wait3A_64 = tpu.memref_slice %arg2[%run_scoped3A, %add3A, %dma_wait3A_62, %dma_wait3A_63] : memref<2x32x100x100xi32, #tpu.memory_space<hbm>> -> memref<1x1x100x100xi32, #tpu.memory_space<hbm>>
      %dma_wait3A_65 = tpu.memref_squeeze %dma_wait3A_64 : memref<1x1x100x100xi32, #tpu.memory_space<hbm>> -> memref<100x100xi32, #tpu.memory_space<hbm>>
      tpu.wait_dma2 semaphore(%run_scoped3A_50 : memref<!tpu.dma_semaphore, #tpu.memory_space<semaphore_mem>>) src(%dma_wait3A_65 : memref<100x100xi32, #tpu.memory_space<hbm>>) dst(%arg5 : memref<100x100xi32, #tpu.memory_space<vmem>>)
      tpu.yield
    }) : () -> ()
    %run_scoped3A_1 = arith.constant 1 : i32
    "tpu.region"() ({
      %run_scoped3A_50 = tpu.sem_alloc : memref<!tpu.dma_semaphore, #tpu.memory_space<semaphore_mem>>
      %dma_start3A_51 = arith.constant 0 : i32
      %dma_start3A_52 = arith.constant 0 : i32
      %dma_start3A_53 = tpu.memref_slice %arg2[%run_scoped3A_1, %add3A, %dma_start3A_51, %dma_start3A_52] : memref<2x32x100x100xi32, #tpu.memory_space<hbm>> -> memref<1x1x100x100xi32, #tpu.memory_space<hbm>>
      %dma_start3A_54 = tpu.memref_squeeze %dma_start3A_53 : memref<1x1x100x100xi32, #tpu.memory_space<hbm>> -> memref<100x100xi32, #tpu.memory_space<hbm>>
      %dma_start3A_55 = arith.constant 0 : i32
      %dma_start3A_56 = arith.constant 0 : i32
      %dma_start3A_57 = tpu.memref_slice %arg2[%run_scoped3A_1, %add3A, %dma_start3A_55, %dma_start3A_56] : memref<2x32x100x100xi32, #tpu.memory_space<hbm>> -> memref<1x1x100x100xi32, #tpu.memory_space<hbm>>
      %dma_start3A_58 = tpu.memref_squeeze %dma_start3A_57 : memref<1x1x100x100xi32, #tpu.memory_space<hbm>> -> memref<100x100xi32, #tpu.memory_space<hbm>>
      tpu.enqueue_dma source(%dma_start3A_58 : memref<100x100xi32, #tpu.memory_space<hbm>>) target(%arg6 : memref<100x100xi32, #tpu.memory_space<vmem>>) target_semaphore(%run_scoped3A_50 : memref<!tpu.dma_semaphore, #tpu.memory_space<semaphore_mem>>)
      %dma_wait3A = arith.constant 0 : i32
      %dma_wait3A_59 = arith.constant 0 : i32
      %dma_wait3A_60 = tpu.memref_slice %arg2[%run_scoped3A_1, %add3A, %dma_wait3A, %dma_wait3A_59] : memref<2x32x100x100xi32, #tpu.memory_space<hbm>> -> memref<1x1x100x100xi32, #tpu.memory_space<hbm>>
      %dma_wait3A_61 = tpu.memref_squeeze %dma_wait3A_60 : memref<1x1x100x100xi32, #tpu.memory_space<hbm>> -> memref<100x100xi32, #tpu.memory_space<hbm>>
      %dma_wait3A_62 = arith.constant 0 : i32
      %dma_wait3A_63 = arith.constant 0 : i32
      %dma_wait3A_64 = tpu.memref_slice %arg2[%run_scoped3A_1, %add3A, %dma_wait3A_62, %dma_wait3A_63] : memref<2x32x100x100xi32, #tpu.memory_space<hbm>> -> memref<1x1x100x100xi32, #tpu.memory_space<hbm>>
      %dma_wait3A_65 = tpu.memref_squeeze %dma_wait3A_64 : memref<1x1x100x100xi32, #tpu.memory_space<hbm>> -> memref<100x100xi32, #tpu.memory_space<hbm>>
      tpu.wait_dma2 semaphore(%run_scoped3A_50 : memref<!tpu.dma_semaphore, #tpu.memory_space<semaphore_mem>>) src(%dma_wait3A_65 : memref<100x100xi32, #tpu.memory_space<hbm>>) dst(%arg6 : memref<100x100xi32, #tpu.memory_space<vmem>>)
      tpu.yield
    }) : () -> ()
    %scan3A = arith.constant 0 : i32
    %scan3A_2 = arith.constant 0 : i32
    %scan3A_3 = arith.constant 200 : i32
    %scan3A_4 = arith.addi %scan3A_2, %scan3A_3 : i32
    %scan3A_5 = arith.constant 1 : i32
    scf.for %scan3A_50 = %scan3A_2 to %scan3A_4 step %scan3A_5  : i32 {
      %broadcast_in_dim3A = arith.constant 0.000000e+00 : f32
      %broadcast_in_dim3A_51 = vector.broadcast %broadcast_in_dim3A : f32 to vector<16xf32>
      %swap3A = arith.index_cast %scan3A_50 : i32 to index
      %swap3A_52 = arith.constant 0 : index
      %swap3A_53 = tpu.vector_load %arg7[%swap3A, %swap3A_52] {strides = array<i32>} : memref<200x128xf32, #tpu.memory_space<vmem>>, vector<1x16xf32>,
      %swap3A_54 = vector.shape_cast %swap3A_53 : vector<1x16xf32> to vector<16xf32>
      %swap3A_55 = vector.shape_cast %broadcast_in_dim3A_51 : vector<16xf32> to vector<1x16xf32>
      tpu.vector_store %arg7[%swap3A, %swap3A_52], %swap3A_55 {strides = array<i32>} : memref<200x128xf32, #tpu.memory_space<vmem>>, vector<1x16xf32>,
      %broadcast_in_dim3A_56 = arith.constant 0.000000e+00 : f32
      %broadcast_in_dim3A_57 = vector.broadcast %broadcast_in_dim3A_56 : f32 to vector<16xf32>
      %swap3A_58 = arith.index_cast %scan3A_50 : i32 to index
      %swap3A_59 = arith.constant 16 : index
      %swap3A_60 = tpu.vector_load %arg7[%swap3A_58, %swap3A_59] {strides = array<i32>} : memref<200x128xf32, #tpu.memory_space<vmem>>, vector<1x16xf32>,
      %swap3A_61 = vector.shape_cast %swap3A_60 : vector<1x16xf32> to vector<16xf32>
      %swap3A_62 = vector.shape_cast %broadcast_in_dim3A_57 : vector<16xf32> to vector<1x16xf32>
      tpu.vector_store %arg7[%swap3A_58, %swap3A_59], %swap3A_62 {strides = array<i32>} : memref<200x128xf32, #tpu.memory_space<vmem>>, vector<1x16xf32>,
      %broadcast_in_dim3A_63 = arith.constant 0.000000e+00 : f32
      %broadcast_in_dim3A_64 = vector.broadcast %broadcast_in_dim3A_63 : f32 to vector<16xf32>
      %swap3A_65 = arith.index_cast %scan3A_50 : i32 to index
      %swap3A_66 = arith.constant 32 : index
      %swap3A_67 = tpu.vector_load %arg7[%swap3A_65, %swap3A_66] {strides = array<i32>} : memref<200x128xf32, #tpu.memory_space<vmem>>, vector<1x16xf32>,
      %swap3A_68 = vector.shape_cast %swap3A_67 : vector<1x16xf32> to vector<16xf32>
      %swap3A_69 = vector.shape_cast %broadcast_in_dim3A_64 : vector<16xf32> to vector<1x16xf32>
      tpu.vector_store %arg7[%swap3A_65, %swap3A_66], %swap3A_69 {strides = array<i32>} : memref<200x128xf32, #tpu.memory_space<vmem>>, vector<1x16xf32>,
      %broadcast_in_dim3A_70 = arith.constant 0.000000e+00 : f32
      %broadcast_in_dim3A_71 = vector.broadcast %broadcast_in_dim3A_70 : f32 to vector<16xf32>
      %swap3A_72 = arith.index_cast %scan3A_50 : i32 to index
      %swap3A_73 = arith.constant 48 : index
      %swap3A_74 = tpu.vector_load %arg7[%swap3A_72, %swap3A_73] {strides = array<i32>} : memref<200x128xf32, #tpu.memory_space<vmem>>, vector<1x16xf32>,
      %swap3A_75 = vector.shape_cast %swap3A_74 : vector<1x16xf32> to vector<16xf32>
      %swap3A_76 = vector.shape_cast %broadcast_in_dim3A_71 : vector<16xf32> to vector<1x16xf32>
      tpu.vector_store %arg7[%swap3A_72, %swap3A_73], %swap3A_76 {strides = array<i32>} : memref<200x128xf32, #tpu.memory_space<vmem>>, vector<1x16xf32>,
      %broadcast_in_dim3A_77 = arith.constant 0.000000e+00 : f32
      %broadcast_in_dim3A_78 = vector.broadcast %broadcast_in_dim3A_77 : f32 to vector<16xf32>
      %swap3A_79 = arith.index_cast %scan3A_50 : i32 to index
      %swap3A_80 = arith.constant 64 : index
      %swap3A_81 = tpu.vector_load %arg7[%swap3A_79, %swap3A_80] {strides = array<i32>} : memref<200x128xf32, #tpu.memory_space<vmem>>, vector<1x16xf32>,
      %swap3A_82 = vector.shape_cast %swap3A_81 : vector<1x16xf32> to vector<16xf32>
      %swap3A_83 = vector.shape_cast %broadcast_in_dim3A_78 : vector<16xf32> to vector<1x16xf32>
      tpu.vector_store %arg7[%swap3A_79, %swap3A_80], %swap3A_83 {strides = array<i32>} : memref<200x128xf32, #tpu.memory_space<vmem>>, vector<1x16xf32>,
      %broadcast_in_dim3A_84 = arith.constant 0.000000e+00 : f32
      %broadcast_in_dim3A_85 = vector.broadcast %broadcast_in_dim3A_84 : f32 to vector<16xf32>
      %swap3A_86 = arith.index_cast %scan3A_50 : i32 to index
      %swap3A_87 = arith.constant 80 : index
      %swap3A_88 = tpu.vector_load %arg7[%swap3A_86, %swap3A_87] {strides = array<i32>} : memref<200x128xf32, #tpu.memory_space<vmem>>, vector<1x16xf32>,
      %swap3A_89 = vector.shape_cast %swap3A_88 : vector<1x16xf32> to vector<16xf32>
      %swap3A_90 = vector.shape_cast %broadcast_in_dim3A_85 : vector<16xf32> to vector<1x16xf32>
      tpu.vector_store %arg7[%swap3A_86, %swap3A_87], %swap3A_90 {strides = array<i32>} : memref<200x128xf32, #tpu.memory_space<vmem>>, vector<1x16xf32>,
      %broadcast_in_dim3A_91 = arith.constant 0.000000e+00 : f32
      %broadcast_in_dim3A_92 = vector.broadcast %broadcast_in_dim3A_91 : f32 to vector<16xf32>
      %swap3A_93 = arith.index_cast %scan3A_50 : i32 to index
      %swap3A_94 = arith.constant 96 : index
      %swap3A_95 = tpu.vector_load %arg7[%swap3A_93, %swap3A_94] {strides = array<i32>} : memref<200x128xf32, #tpu.memory_space<vmem>>, vector<1x16xf32>,
      %swap3A_96 = vector.shape_cast %swap3A_95 : vector<1x16xf32> to vector<16xf32>
      %swap3A_97 = vector.shape_cast %broadcast_in_dim3A_92 : vector<16xf32> to vector<1x16xf32>
      tpu.vector_store %arg7[%swap3A_93, %swap3A_94], %swap3A_97 {strides = array<i32>} : memref<200x128xf32, #tpu.memory_space<vmem>>, vector<1x16xf32>,
      %broadcast_in_dim3A_98 = arith.constant 0.000000e+00 : f32
      %broadcast_in_dim3A_99 = vector.broadcast %broadcast_in_dim3A_98 : f32 to vector<16xf32>
      %swap3A_100 = arith.index_cast %scan3A_50 : i32 to index
      %swap3A_101 = arith.constant 112 : index
      %swap3A_102 = tpu.vector_load %arg7[%swap3A_100, %swap3A_101] {strides = array<i32>} : memref<200x128xf32, #tpu.memory_space<vmem>>, vector<1x16xf32>,
      %swap3A_103 = vector.shape_cast %swap3A_102 : vector<1x16xf32> to vector<16xf32>
      %swap3A_104 = vector.shape_cast %broadcast_in_dim3A_99 : vector<16xf32> to vector<1x16xf32>
      tpu.vector_store %arg7[%swap3A_100, %swap3A_101], %swap3A_104 {strides = array<i32>} : memref<200x128xf32, #tpu.memory_space<vmem>>, vector<1x16xf32>,
    }
    %scan3A_6 = arith.constant 200 : i32
    %mul3A_7 = arith.constant 624 : i32
    %mul3A_8 = arith.muli %arg1, %mul3A_7 : i32
    %add3A_9 = arith.constant 0 : i32
    %add3A_10 = arith.addi %mul3A_8, %add3A_9 : i32
    "tpu.region"() ({
      %run_scoped3A_50 = tpu.sem_alloc : memref<!tpu.dma_semaphore, #tpu.memory_space<semaphore_mem>>
      %dma_start3A_51 = arith.constant 0 : i32
      %dma_start3A_52 = arith.constant 0 : i32
      %dma_start3A_53 = tpu.memref_slice %arg7[%dma_start3A_51, %dma_start3A_52] : memref<200x128xf32, #tpu.memory_space<vmem>> -> memref<200x128xf32, #tpu.memory_space<vmem>>
      %dma_start3A_54 = arith.constant 0 : i32
      %dma_start3A_55 = tpu.memref_slice %arg8[%add3A_10, %dma_start3A_54] : memref<10000x128xf32, #tpu.memory_space<vmem_shared>> -> memref<200x128xf32, #tpu.memory_space<vmem_shared>>
      %dma_start3A_56 = arith.constant 0 : i32
      %dma_start3A_57 = tpu.memref_slice %arg8[%add3A_10, %dma_start3A_56] : memref<10000x128xf32, #tpu.memory_space<vmem_shared>> -> memref<200x128xf32, #tpu.memory_space<vmem_shared>>
      %dma_start3A_58 = arith.constant 0 : i32
      %dma_start3A_59 = arith.constant 0 : i32
      %dma_start3A_60 = tpu.memref_slice %arg7[%dma_start3A_58, %dma_start3A_59] : memref<200x128xf32, #tpu.memory_space<vmem>> -> memref<200x128xf32, #tpu.memory_space<vmem>>
      tpu.enqueue_dma source(%dma_start3A_60 : memref<200x128xf32, #tpu.memory_space<vmem>>) target(%dma_start3A_57 : memref<200x128xf32, #tpu.memory_space<vmem_shared>>) target_semaphore(%run_scoped3A_50 : memref<!tpu.dma_semaphore, #tpu.memory_space<semaphore_mem>>)
      %dma_wait3A = arith.constant 0 : i32
      %dma_wait3A_61 = arith.constant 0 : i32
      %dma_wait3A_62 = tpu.memref_slice %arg7[%dma_wait3A, %dma_wait3A_61] : memref<200x128xf32, #tpu.memory_space<vmem>> -> memref<200x128xf32, #tpu.memory_space<vmem>>
      %dma_wait3A_63 = arith.constant 0 : i32
      %dma_wait3A_64 = tpu.memref_slice %arg8[%add3A_10, %dma_wait3A_63] : memref<10000x128xf32, #tpu.memory_space<vmem_shared>> -> memref<200x128xf32, #tpu.memory_space<vmem_shared>>
      %dma_wait3A_65 = arith.constant 0 : i32
      %dma_wait3A_66 = tpu.memref_slice %arg8[%add3A_10, %dma_wait3A_65] : memref<10000x128xf32, #tpu.memory_space<vmem_shared>> -> memref<200x128xf32, #tpu.memory_space<vmem_shared>>
      %dma_wait3A_67 = arith.constant 0 : i32
      %dma_wait3A_68 = arith.constant 0 : i32
      %dma_wait3A_69 = tpu.memref_slice %arg7[%dma_wait3A_67, %dma_wait3A_68] : memref<200x128xf32, #tpu.memory_space<vmem>> -> memref<200x128xf32, #tpu.memory_space<vmem>>
      tpu.wait_dma2 semaphore(%run_scoped3A_50 : memref<!tpu.dma_semaphore, #tpu.memory_space<semaphore_mem>>) src(%dma_wait3A_69 : memref<200x128xf32, #tpu.memory_space<vmem>>) dst(%dma_wait3A_66 : memref<200x128xf32, #tpu.memory_space<vmem_shared>>)
      tpu.yield
    }) : () -> ()
    %mul3A_11 = arith.constant 624 : i32
    %mul3A_12 = arith.muli %arg1, %mul3A_11 : i32
    %add3A_13 = arith.constant 200 : i32
    %add3A_14 = arith.addi %mul3A_12, %add3A_13 : i32
    "tpu.region"() ({
      %run_scoped3A_50 = tpu.sem_alloc : memref<!tpu.dma_semaphore, #tpu.memory_space<semaphore_mem>>
      %dma_start3A_51 = arith.constant 0 : i32
      %dma_start3A_52 = arith.constant 0 : i32
      %dma_start3A_53 = tpu.memref_slice %arg7[%dma_start3A_51, %dma_start3A_52] : memref<200x128xf32, #tpu.memory_space<vmem>> -> memref<200x128xf32, #tpu.memory_space<vmem>>
      %dma_start3A_54 = arith.constant 0 : i32
      %dma_start3A_55 = tpu.memref_slice %arg8[%add3A_14, %dma_start3A_54] : memref<10000x128xf32, #tpu.memory_space<vmem_shared>> -> memref<200x128xf32, #tpu.memory_space<vmem_shared>>
      %dma_start3A_56 = arith.constant 0 : i32
      %dma_start3A_57 = tpu.memref_slice %arg8[%add3A_14, %dma_start3A_56] : memref<10000x128xf32, #tpu.memory_space<vmem_shared>> -> memref<200x128xf32, #tpu.memory_space<vmem_shared>>
      %dma_start3A_58 = arith.constant 0 : i32
      %dma_start3A_59 = arith.constant 0 : i32
      %dma_start3A_60 = tpu.memref_slice %arg7[%dma_start3A_58, %dma_start3A_59] : memref<200x128xf32, #tpu.memory_space<vmem>> -> memref<200x128xf32, #tpu.memory_space<vmem>>
      tpu.enqueue_dma source(%dma_start3A_60 : memref<200x128xf32, #tpu.memory_space<vmem>>) target(%dma_start3A_57 : memref<200x128xf32, #tpu.memory_space<vmem_shared>>) target_semaphore(%run_scoped3A_50 : memref<!tpu.dma_semaphore, #tpu.memory_space<semaphore_mem>>)
      %dma_wait3A = arith.constant 0 : i32
      %dma_wait3A_61 = arith.constant 0 : i32
      %dma_wait3A_62 = tpu.memref_slice %arg7[%dma_wait3A, %dma_wait3A_61] : memref<200x128xf32, #tpu.memory_space<vmem>> -> memref<200x128xf32, #tpu.memory_space<vmem>>
      %dma_wait3A_63 = arith.constant 0 : i32
      %dma_wait3A_64 = tpu.memref_slice %arg8[%add3A_14, %dma_wait3A_63] : memref<10000x128xf32, #tpu.memory_space<vmem_shared>> -> memref<200x128xf32, #tpu.memory_space<vmem_shared>>
      %dma_wait3A_65 = arith.constant 0 : i32
      %dma_wait3A_66 = tpu.memref_slice %arg8[%add3A_14, %dma_wait3A_65] : memref<10000x128xf32, #tpu.memory_space<vmem_shared>> -> memref<200x128xf32, #tpu.memory_space<vmem_shared>>
      %dma_wait3A_67 = arith.constant 0 : i32
      %dma_wait3A_68 = arith.constant 0 : i32
      %dma_wait3A_69 = tpu.memref_slice %arg7[%dma_wait3A_67, %dma_wait3A_68] : memref<200x128xf32, #tpu.memory_space<vmem>> -> memref<200x128xf32, #tpu.memory_space<vmem>>
      tpu.wait_dma2 semaphore(%run_scoped3A_50 : memref<!tpu.dma_semaphore, #tpu.memory_space<semaphore_mem>>) src(%dma_wait3A_69 : memref<200x128xf32, #tpu.memory_space<vmem>>) dst(%dma_wait3A_66 : memref<200x128xf32, #tpu.memory_space<vmem_shared>>)
      tpu.yield
    }) : () -> ()
    %mul3A_15 = arith.constant 624 : i32
    %mul3A_16 = arith.muli %arg1, %mul3A_15 : i32
    %add3A_17 = arith.constant 400 : i32
    %add3A_18 = arith.addi %mul3A_16, %add3A_17 : i32
    "tpu.region"() ({
      %run_scoped3A_50 = tpu.sem_alloc : memref<!tpu.dma_semaphore, #tpu.memory_space<semaphore_mem>>
      %dma_start3A_51 = arith.constant 0 : i32
      %dma_start3A_52 = arith.constant 0 : i32
      %dma_start3A_53 = tpu.memref_slice %arg7[%dma_start3A_51, %dma_start3A_52] : memref<200x128xf32, #tpu.memory_space<vmem>> -> memref<200x128xf32, #tpu.memory_space<vmem>>
      %dma_start3A_54 = arith.constant 0 : i32
      %dma_start3A_55 = tpu.memref_slice %arg8[%add3A_18, %dma_start3A_54] : memref<10000x128xf32, #tpu.memory_space<vmem_shared>> -> memref<200x128xf32, #tpu.memory_space<vmem_shared>>
      %dma_start3A_56 = arith.constant 0 : i32
      %dma_start3A_57 = tpu.memref_slice %arg8[%add3A_18, %dma_start3A_56] : memref<10000x128xf32, #tpu.memory_space<vmem_shared>> -> memref<200x128xf32, #tpu.memory_space<vmem_shared>>
      %dma_start3A_58 = arith.constant 0 : i32
      %dma_start3A_59 = arith.constant 0 : i32
      %dma_start3A_60 = tpu.memref_slice %arg7[%dma_start3A_58, %dma_start3A_59] : memref<200x128xf32, #tpu.memory_space<vmem>> -> memref<200x128xf32, #tpu.memory_space<vmem>>
      tpu.enqueue_dma source(%dma_start3A_60 : memref<200x128xf32, #tpu.memory_space<vmem>>) target(%dma_start3A_57 : memref<200x128xf32, #tpu.memory_space<vmem_shared>>) target_semaphore(%run_scoped3A_50 : memref<!tpu.dma_semaphore, #tpu.memory_space<semaphore_mem>>)
      %dma_wait3A = arith.constant 0 : i32
      %dma_wait3A_61 = arith.constant 0 : i32
      %dma_wait3A_62 = tpu.memref_slice %arg7[%dma_wait3A, %dma_wait3A_61] : memref<200x128xf32, #tpu.memory_space<vmem>> -> memref<200x128xf32, #tpu.memory_space<vmem>>
      %dma_wait3A_63 = arith.constant 0 : i32
      %dma_wait3A_64 = tpu.memref_slice %arg8[%add3A_18, %dma_wait3A_63] : memref<10000x128xf32, #tpu.memory_space<vmem_shared>> -> memref<200x128xf32, #tpu.memory_space<vmem_shared>>
      %dma_wait3A_65 = arith.constant 0 : i32
      %dma_wait3A_66 = tpu.memref_slice %arg8[%add3A_18, %dma_wait3A_65] : memref<10000x128xf32, #tpu.memory_space<vmem_shared>> -> memref<200x128xf32, #tpu.memory_space<vmem_shared>>
      %dma_wait3A_67 = arith.constant 0 : i32
      %dma_wait3A_68 = arith.constant 0 : i32
      %dma_wait3A_69 = tpu.memref_slice %arg7[%dma_wait3A_67, %dma_wait3A_68] : memref<200x128xf32, #tpu.memory_space<vmem>> -> memref<200x128xf32, #tpu.memory_space<vmem>>
      tpu.wait_dma2 semaphore(%run_scoped3A_50 : memref<!tpu.dma_semaphore, #tpu.memory_space<semaphore_mem>>) src(%dma_wait3A_69 : memref<200x128xf32, #tpu.memory_space<vmem>>) dst(%dma_wait3A_66 : memref<200x128xf32, #tpu.memory_space<vmem_shared>>)
      tpu.yield
    }) : () -> ()
    %mul3A_19 = arith.constant 624 : i32
    %mul3A_20 = arith.muli %arg1, %mul3A_19 : i32
    %add3A_21 = arith.constant 600 : i32
    %add3A_22 = arith.addi %mul3A_20, %add3A_21 : i32
    "tpu.region"() ({
      %run_scoped3A_50 = tpu.sem_alloc : memref<!tpu.dma_semaphore, #tpu.memory_space<semaphore_mem>>
      %dma_start3A_51 = arith.constant 0 : i32
      %dma_start3A_52 = arith.constant 0 : i32
      %dma_start3A_53 = tpu.memref_slice %arg7[%dma_start3A_51, %dma_start3A_52] : memref<200x128xf32, #tpu.memory_space<vmem>> -> memref<24x128xf32, #tpu.memory_space<vmem>>
      %dma_start3A_54 = arith.constant 0 : i32
      %dma_start3A_55 = tpu.memref_slice %arg8[%add3A_22, %dma_start3A_54] : memref<10000x128xf32, #tpu.memory_space<vmem_shared>> -> memref<24x128xf32, #tpu.memory_space<vmem_shared>>
      %dma_start3A_56 = arith.constant 0 : i32
      %dma_start3A_57 = tpu.memref_slice %arg8[%add3A_22, %dma_start3A_56] : memref<10000x128xf32, #tpu.memory_space<vmem_shared>> -> memref<24x128xf32, #tpu.memory_space<vmem_shared>>
      %dma_start3A_58 = arith.constant 0 : i32
      %dma_start3A_59 = arith.constant 0 : i32
      %dma_start3A_60 = tpu.memref_slice %arg7[%dma_start3A_58, %dma_start3A_59] : memref<200x128xf32, #tpu.memory_space<vmem>> -> memref<24x128xf32, #tpu.memory_space<vmem>>
      tpu.enqueue_dma source(%dma_start3A_60 : memref<24x128xf32, #tpu.memory_space<vmem>>) target(%dma_start3A_57 : memref<24x128xf32, #tpu.memory_space<vmem_shared>>) target_semaphore(%run_scoped3A_50 : memref<!tpu.dma_semaphore, #tpu.memory_space<semaphore_mem>>)
      %dma_wait3A = arith.constant 0 : i32
      %dma_wait3A_61 = arith.constant 0 : i32
      %dma_wait3A_62 = tpu.memref_slice %arg7[%dma_wait3A, %dma_wait3A_61] : memref<200x128xf32, #tpu.memory_space<vmem>> -> memref<24x128xf32, #tpu.memory_space<vmem>>
      %dma_wait3A_63 = arith.constant 0 : i32
      %dma_wait3A_64 = tpu.memref_slice %arg8[%add3A_22, %dma_wait3A_63] : memref<10000x128xf32, #tpu.memory_space<vmem_shared>> -> memref<24x128xf32, #tpu.memory_space<vmem_shared>>
      %dma_wait3A_65 = arith.constant 0 : i32
      %dma_wait3A_66 = tpu.memref_slice %arg8[%add3A_22, %dma_wait3A_65] : memref<10000x128xf32, #tpu.memory_space<vmem_shared>> -> memref<24x128xf32, #tpu.memory_space<vmem_shared>>
      %dma_wait3A_67 = arith.constant 0 : i32
      %dma_wait3A_68 = arith.constant 0 : i32
      %dma_wait3A_69 = tpu.memref_slice %arg7[%dma_wait3A_67, %dma_wait3A_68] : memref<200x128xf32, #tpu.memory_space<vmem>> -> memref<24x128xf32, #tpu.memory_space<vmem>>
      tpu.wait_dma2 semaphore(%run_scoped3A_50 : memref<!tpu.dma_semaphore, #tpu.memory_space<semaphore_mem>>) src(%dma_wait3A_69 : memref<24x128xf32, #tpu.memory_space<vmem>>) dst(%dma_wait3A_66 : memref<24x128xf32, #tpu.memory_space<vmem_shared>>)
      tpu.yield
    }) : () -> ()
    %eq3A = arith.constant 15 : i32
    %eq3A_23 = arith.cmpi eq, %arg1, %eq3A : i32
    %convert_element_type3A = arith.extui %eq3A_23 : i1 to i32
    %cond3A = arith.constant 0 : i32
    %cond3A_24 = arith.cmpi ne, %convert_element_type3A, %cond3A : i32
    scf.if %cond3A_24 {
      "tpu.region"() ({
        %run_scoped3A_50 = tpu.sem_alloc : memref<!tpu.dma_semaphore, #tpu.memory_space<semaphore_mem>>
        %dma_start3A_51 = arith.constant 0 : i32
        %dma_start3A_52 = arith.constant 0 : i32
        %dma_start3A_53 = tpu.memref_slice %arg7[%dma_start3A_51, %dma_start3A_52] : memref<200x128xf32, #tpu.memory_space<vmem>> -> memref<16x128xf32, #tpu.memory_space<vmem>>
        %dma_start3A_54 = arith.constant 9984 : i32
        %dma_start3A_55 = arith.constant 0 : i32
        %dma_start3A_56 = tpu.memref_slice %arg8[%dma_start3A_54, %dma_start3A_55] : memref<10000x128xf32, #tpu.memory_space<vmem_shared>> -> memref<16x128xf32, #tpu.memory_space<vmem_shared>>
        %dma_start3A_57 = arith.constant 9984 : i32
        %dma_start3A_58 = arith.constant 0 : i32
        %dma_start3A_59 = tpu.memref_slice %arg8[%dma_start3A_57, %dma_start3A_58] : memref<10000x128xf32, #tpu.memory_space<vmem_shared>> -> memref<16x128xf32, #tpu.memory_space<vmem_shared>>
        %dma_start3A_60 = arith.constant 0 : i32
        %dma_start3A_61 = arith.constant 0 : i32
        %dma_start3A_62 = tpu.memref_slice %arg7[%dma_start3A_60, %dma_start3A_61] : memref<200x128xf32, #tpu.memory_space<vmem>> -> memref<16x128xf32, #tpu.memory_space<vmem>>
        tpu.enqueue_dma source(%dma_start3A_62 : memref<16x128xf32, #tpu.memory_space<vmem>>) target(%dma_start3A_59 : memref<16x128xf32, #tpu.memory_space<vmem_shared>>) target_semaphore(%run_scoped3A_50 : memref<!tpu.dma_semaphore, #tpu.memory_space<semaphore_mem>>)
        %dma_wait3A = arith.constant 0 : i32
        %dma_wait3A_63 = arith.constant 0 : i32
        %dma_wait3A_64 = tpu.memref_slice %arg7[%dma_wait3A, %dma_wait3A_63] : memref<200x128xf32, #tpu.memory_space<vmem>> -> memref<16x128xf32, #tpu.memory_space<vmem>>
        %dma_wait3A_65 = arith.constant 9984 : i32
        %dma_wait3A_66 = arith.constant 0 : i32
        %dma_wait3A_67 = tpu.memref_slice %arg8[%dma_wait3A_65, %dma_wait3A_66] : memref<10000x128xf32, #tpu.memory_space<vmem_shared>> -> memref<16x128xf32, #tpu.memory_space<vmem_shared>>
        %dma_wait3A_68 = arith.constant 9984 : i32
        %dma_wait3A_69 = arith.constant 0 : i32
        %dma_wait3A_70 = tpu.memref_slice %arg8[%dma_wait3A_68, %dma_wait3A_69] : memref<10000x128xf32, #tpu.memory_space<vmem_shared>> -> memref<16x128xf32, #tpu.memory_space<vmem_shared>>
        %dma_wait3A_71 = arith.constant 0 : i32
        %dma_wait3A_72 = arith.constant 0 : i32
        %dma_wait3A_73 = tpu.memref_slice %arg7[%dma_wait3A_71, %dma_wait3A_72] : memref<200x128xf32, #tpu.memory_space<vmem>> -> memref<16x128xf32, #tpu.memory_space<vmem>>
        tpu.wait_dma2 semaphore(%run_scoped3A_50 : memref<!tpu.dma_semaphore, #tpu.memory_space<semaphore_mem>>) src(%dma_wait3A_73 : memref<16x128xf32, #tpu.memory_space<vmem>>) dst(%dma_wait3A_70 : memref<16x128xf32, #tpu.memory_space<vmem_shared>>)
        tpu.yield
      }) : () -> ()
    } else {
    }
    %barrier3A = arith.constant 0 : index
    tpu.barrier barrier_id(%barrier3A)
    %dma_start3A = arith.constant 0 : i32
    %dma_start3A_25 = arith.constant 0 : i32
    %dma_start3A_26 = arith.constant 0 : i32
    %dma_start3A_27 = tpu.memref_slice %arg7[%dma_start3A_25, %dma_start3A_26] : memref<200x128xf32, #tpu.memory_space<vmem>> -> memref<100x128xf32, #tpu.memory_space<vmem>>
    %dma_start3A_28 = arith.constant 0 : i32
    %dma_start3A_29 = tpu.memref_slice %arg5[%dma_start3A, %dma_start3A_28] : memref<100x100xi32, #tpu.memory_space<vmem>> -> memref<1x100xi32, #tpu.memory_space<vmem>>
    %dma_start3A_30 = tpu.memref_squeeze %dma_start3A_29 : memref<1x100xi32, #tpu.memory_space<vmem>> -> memref<100xi32, #tpu.memory_space<vmem>>
    %dma_start3A_31 = arith.constant 0 : i32
    %dma_start3A_32 = arith.constant 0 : i32
    %dma_start3A_33 = tpu.memref_slice %arg3[%dma_start3A_31, %dma_start3A_32] : memref<10000x128xf32, #tpu.memory_space<hbm>> -> memref<10000x128xf32, #tpu.memory_space<hbm>>
    tpu.enqueue_indirect_dma source(%dma_start3A_33 : memref<10000x128xf32, #tpu.memory_space<hbm>>) target(%dma_start3A_27 : memref<100x128xf32, #tpu.memory_space<vmem>>) offsets(%dma_start3A_30 : memref<100xi32, #tpu.memory_space<vmem>>) semaphore(%arg9 : memref<!tpu.dma_semaphore, #tpu.memory_space<semaphore_mem>>)
    %scan3A_34 = arith.constant 0 : i32
    %scan3A_35 = arith.constant 0 : i32
    %scan3A_36 = arith.constant 50 : i32
    %scan3A_37 = arith.addi %scan3A_35, %scan3A_36 : i32
    %scan3A_38 = arith.constant 1 : i32
    scf.for %scan3A_50 = %scan3A_35 to %scan3A_37 step %scan3A_38  : i32 {
      %mul3A_51 = arith.constant 2 : i32
      %mul3A_52 = arith.muli %scan3A_50, %mul3A_51 : i32
      %mul3A_53 = arith.constant 1 : i32
      %mul3A_54 = arith.muli %mul3A_52, %mul3A_53 : i32
      %add3A_55 = arith.constant 1 : i32
      %add3A_56 = arith.addi %mul3A_54, %add3A_55 : i32
      %add3A_57 = arith.constant 0 : i32
      %add3A_58 = arith.addi %add3A_56, %add3A_57 : i32
      %dma_start3A_59 = arith.constant 100 : i32
      %dma_start3A_60 = arith.constant 0 : i32
      %dma_start3A_61 = tpu.memref_slice %arg7[%dma_start3A_59, %dma_start3A_60] : memref<200x128xf32, #tpu.memory_space<vmem>> -> memref<100x128xf32, #tpu.memory_space<vmem>>
      %dma_start3A_62 = arith.constant 0 : i32
      %dma_start3A_63 = tpu.memref_slice %arg5[%add3A_58, %dma_start3A_62] : memref<100x100xi32, #tpu.memory_space<vmem>> -> memref<1x100xi32, #tpu.memory_space<vmem>>
      %dma_start3A_64 = tpu.memref_squeeze %dma_start3A_63 : memref<1x100xi32, #tpu.memory_space<vmem>> -> memref<100xi32, #tpu.memory_space<vmem>>
      %dma_start3A_65 = arith.constant 0 : i32
      %dma_start3A_66 = arith.constant 0 : i32
      %dma_start3A_67 = tpu.memref_slice %arg3[%dma_start3A_65, %dma_start3A_66] : memref<10000x128xf32, #tpu.memory_space<hbm>> -> memref<10000x128xf32, #tpu.memory_space<hbm>>
      tpu.enqueue_indirect_dma source(%dma_start3A_67 : memref<10000x128xf32, #tpu.memory_space<hbm>>) target(%dma_start3A_61 : memref<100x128xf32, #tpu.memory_space<vmem>>) offsets(%dma_start3A_64 : memref<100xi32, #tpu.memory_space<vmem>>) semaphore(%arg10 : memref<!tpu.dma_semaphore, #tpu.memory_space<semaphore_mem>>)
      %dma_wait3A = arith.constant 0 : i32
      %dma_wait3A_68 = arith.constant 0 : i32
      %dma_wait3A_69 = arith.constant 0 : i32
      %dma_wait3A_70 = tpu.memref_slice %arg7[%dma_wait3A_68, %dma_wait3A_69] : memref<200x128xf32, #tpu.memory_space<vmem>> -> memref<100x128xf32, #tpu.memory_space<vmem>>
      %dma_wait3A_71 = arith.constant 0 : i32
      %dma_wait3A_72 = tpu.memref_slice %arg5[%dma_wait3A, %dma_wait3A_71] : memref<100x100xi32, #tpu.memory_space<vmem>> -> memref<1x100xi32, #tpu.memory_space<vmem>>
      %dma_wait3A_73 = tpu.memref_squeeze %dma_wait3A_72 : memref<1x100xi32, #tpu.memory_space<vmem>> -> memref<100xi32, #tpu.memory_space<vmem>>
      %dma_wait3A_74 = arith.constant 0 : i32
      %dma_wait3A_75 = arith.constant 0 : i32
      %dma_wait3A_76 = tpu.memref_slice %arg3[%dma_wait3A_74, %dma_wait3A_75] : memref<10000x128xf32, #tpu.memory_space<hbm>> -> memref<10000x128xf32, #tpu.memory_space<hbm>>
      tpu.wait_indirect_dma semaphore(%arg9 : memref<!tpu.dma_semaphore, #tpu.memory_space<semaphore_mem>>) src(%dma_wait3A_76 : memref<10000x128xf32, #tpu.memory_space<hbm>>) dst(%dma_wait3A_70 : memref<100x128xf32, #tpu.memory_space<vmem>>)
      %add3A_77 = arith.constant 0 : i32
      %add3A_78 = arith.addi %mul3A_54, %add3A_77 : i32
      %dma_start3A_79 = arith.constant 0 : i32
      %dma_start3A_80 = arith.constant 0 : i32
      %dma_start3A_81 = tpu.memref_slice %arg7[%dma_start3A_79, %dma_start3A_80] : memref<200x128xf32, #tpu.memory_space<vmem>> -> memref<100x128xf32, #tpu.memory_space<vmem>>
      %dma_start3A_82 = arith.constant 0 : i32
      %dma_start3A_83 = tpu.memref_slice %arg6[%add3A_78, %dma_start3A_82] : memref<100x100xi32, #tpu.memory_space<vmem>> -> memref<1x100xi32, #tpu.memory_space<vmem>>
      %dma_start3A_84 = tpu.memref_squeeze %dma_start3A_83 : memref<1x100xi32, #tpu.memory_space<vmem>> -> memref<100xi32, #tpu.memory_space<vmem>>
      %dma_start3A_85 = arith.constant 0 : i32
      %dma_start3A_86 = arith.constant 0 : i32
      %dma_start3A_87 = tpu.memref_slice %arg8[%dma_start3A_85, %dma_start3A_86] : memref<10000x128xf32, #tpu.memory_space<vmem_shared>> -> memref<10000x128xf32, #tpu.memory_space<vmem_shared>>
      tpu.enqueue_indirect_dma source(%dma_start3A_81 : memref<100x128xf32, #tpu.memory_space<vmem>>) target(%dma_start3A_87 : memref<10000x128xf32, #tpu.memory_space<vmem_shared>>) offsets(%dma_start3A_84 : memref<100xi32, #tpu.memory_space<vmem>>) semaphore(%arg11 : memref<!tpu.dma_semaphore, #tpu.memory_space<semaphore_mem>>) {add = true}
      %dma_wait3A_88 = arith.constant 0 : i32
      %dma_wait3A_89 = arith.constant 100 : i32
      %dma_wait3A_90 = arith.constant 0 : i32
      %dma_wait3A_91 = tpu.memref_slice %arg7[%dma_wait3A_89, %dma_wait3A_90] : memref<200x128xf32, #tpu.memory_space<vmem>> -> memref<100x128xf32, #tpu.memory_space<vmem>>
      %dma_wait3A_92 = arith.constant 0 : i32
      %dma_wait3A_93 = tpu.memref_slice %arg5[%dma_wait3A_88, %dma_wait3A_92] : memref<100x100xi32, #tpu.memory_space<vmem>> -> memref<1x100xi32, #tpu.memory_space<vmem>>
      %dma_wait3A_94 = tpu.memref_squeeze %dma_wait3A_93 : memref<1x100xi32, #tpu.memory_space<vmem>> -> memref<100xi32, #tpu.memory_space<vmem>>
      %dma_wait3A_95 = arith.constant 0 : i32
      %dma_wait3A_96 = arith.constant 0 : i32
      %dma_wait3A_97 = tpu.memref_slice %arg3[%dma_wait3A_95, %dma_wait3A_96] : memref<10000x128xf32, #tpu.memory_space<hbm>> -> memref<10000x128xf32, #tpu.memory_space<hbm>>
      tpu.wait_indirect_dma semaphore(%arg10 : memref<!tpu.dma_semaphore, #tpu.memory_space<semaphore_mem>>) src(%dma_wait3A_97 : memref<10000x128xf32, #tpu.memory_space<hbm>>) dst(%dma_wait3A_91 : memref<100x128xf32, #tpu.memory_space<vmem>>)
      %add3A_98 = arith.constant 1 : i32
      %add3A_99 = arith.addi %mul3A_54, %add3A_98 : i32
      %add3A_100 = arith.constant 0 : i32
      %add3A_101 = arith.addi %add3A_99, %add3A_100 : i32
      %dma_start3A_102 = arith.constant 100 : i32
      %dma_start3A_103 = arith.constant 0 : i32
      %dma_start3A_104 = tpu.memref_slice %arg7[%dma_start3A_102, %dma_start3A_103] : memref<200x128xf32, #tpu.memory_space<vmem>> -> memref<100x128xf32, #tpu.memory_space<vmem>>
      %dma_start3A_105 = arith.constant 0 : i32
      %dma_start3A_106 = tpu.memref_slice %arg6[%add3A_101, %dma_start3A_105] : memref<100x100xi32, #tpu.memory_space<vmem>> -> memref<1x100xi32, #tpu.memory_space<vmem>>
      %dma_start3A_107 = tpu.memref_squeeze %dma_start3A_106 : memref<1x100xi32, #tpu.memory_space<vmem>> -> memref<100xi32, #tpu.memory_space<vmem>>
      %dma_start3A_108 = arith.constant 0 : i32
      %dma_start3A_109 = arith.constant 0 : i32
      %dma_start3A_110 = tpu.memref_slice %arg8[%dma_start3A_108, %dma_start3A_109] : memref<10000x128xf32, #tpu.memory_space<vmem_shared>> -> memref<10000x128xf32, #tpu.memory_space<vmem_shared>>
      tpu.enqueue_indirect_dma source(%dma_start3A_104 : memref<100x128xf32, #tpu.memory_space<vmem>>) target(%dma_start3A_110 : memref<10000x128xf32, #tpu.memory_space<vmem_shared>>) offsets(%dma_start3A_107 : memref<100xi32, #tpu.memory_space<vmem>>) semaphore(%arg12 : memref<!tpu.dma_semaphore, #tpu.memory_space<semaphore_mem>>) {add = true}
      %dma_wait3A_111 = arith.constant 0 : i32
      %dma_wait3A_112 = arith.constant 0 : i32
      %dma_wait3A_113 = arith.constant 0 : i32
      %dma_wait3A_114 = tpu.memref_slice %arg7[%dma_wait3A_112, %dma_wait3A_113] : memref<200x128xf32, #tpu.memory_space<vmem>> -> memref<100x128xf32, #tpu.memory_space<vmem>>
      %dma_wait3A_115 = arith.constant 0 : i32
      %dma_wait3A_116 = tpu.memref_slice %arg6[%dma_wait3A_111, %dma_wait3A_115] : memref<100x100xi32, #tpu.memory_space<vmem>> -> memref<1x100xi32, #tpu.memory_space<vmem>>
      %dma_wait3A_117 = tpu.memref_squeeze %dma_wait3A_116 : memref<1x100xi32, #tpu.memory_space<vmem>> -> memref<100xi32, #tpu.memory_space<vmem>>
      %dma_wait3A_118 = arith.constant 0 : i32
      %dma_wait3A_119 = arith.constant 0 : i32
      %dma_wait3A_120 = tpu.memref_slice %arg8[%dma_wait3A_118, %dma_wait3A_119] : memref<10000x128xf32, #tpu.memory_space<vmem_shared>> -> memref<10000x128xf32, #tpu.memory_space<vmem_shared>>
      tpu.wait_indirect_dma semaphore(%arg11 : memref<!tpu.dma_semaphore, #tpu.memory_space<semaphore_mem>>) src(%dma_wait3A_114 : memref<100x128xf32, #tpu.memory_space<vmem>>) dst(%dma_wait3A_120 : memref<10000x128xf32, #tpu.memory_space<vmem_shared>>)
      %lt3A = arith.constant 49 : i32
      %lt3A_121 = arith.cmpi slt, %scan3A_50, %lt3A : i32
      %convert_element_type3A_122 = arith.extui %lt3A_121 : i1 to i32
      %cond3A_123 = arith.constant 0 : i32
      %cond3A_124 = arith.cmpi ne, %convert_element_type3A_122, %cond3A_123 : i32
      scf.if %cond3A_124 {
        %add3A_135 = arith.constant 2 : i32
        %add3A_136 = arith.addi %mul3A_54, %add3A_135 : i32
        %add3A_137 = arith.constant 0 : i32
        %add3A_138 = arith.addi %add3A_136, %add3A_137 : i32
        %dma_start3A_139 = arith.constant 0 : i32
        %dma_start3A_140 = arith.constant 0 : i32
        %dma_start3A_141 = tpu.memref_slice %arg7[%dma_start3A_139, %dma_start3A_140] : memref<200x128xf32, #tpu.memory_space<vmem>> -> memref<100x128xf32, #tpu.memory_space<vmem>>
        %dma_start3A_142 = arith.constant 0 : i32
        %dma_start3A_143 = tpu.memref_slice %arg5[%add3A_138, %dma_start3A_142] : memref<100x100xi32, #tpu.memory_space<vmem>> -> memref<1x100xi32, #tpu.memory_space<vmem>>
        %dma_start3A_144 = tpu.memref_squeeze %dma_start3A_143 : memref<1x100xi32, #tpu.memory_space<vmem>> -> memref<100xi32, #tpu.memory_space<vmem>>
        %dma_start3A_145 = arith.constant 0 : i32
        %dma_start3A_146 = arith.constant 0 : i32
        %dma_start3A_147 = tpu.memref_slice %arg3[%dma_start3A_145, %dma_start3A_146] : memref<10000x128xf32, #tpu.memory_space<hbm>> -> memref<10000x128xf32, #tpu.memory_space<hbm>>
        tpu.enqueue_indirect_dma source(%dma_start3A_147 : memref<10000x128xf32, #tpu.memory_space<hbm>>) target(%dma_start3A_141 : memref<100x128xf32, #tpu.memory_space<vmem>>) offsets(%dma_start3A_144 : memref<100xi32, #tpu.memory_space<vmem>>) semaphore(%arg9 : memref<!tpu.dma_semaphore, #tpu.memory_space<semaphore_mem>>)
      } else {
      }
      %dma_wait3A_125 = arith.constant 0 : i32
      %dma_wait3A_126 = arith.constant 100 : i32
      %dma_wait3A_127 = arith.constant 0 : i32
      %dma_wait3A_128 = tpu.memref_slice %arg7[%dma_wait3A_126, %dma_wait3A_127] : memref<200x128xf32, #tpu.memory_space<vmem>> -> memref<100x128xf32, #tpu.memory_space<vmem>>
      %dma_wait3A_129 = arith.constant 0 : i32
      %dma_wait3A_130 = tpu.memref_slice %arg6[%dma_wait3A_125, %dma_wait3A_129] : memref<100x100xi32, #tpu.memory_space<vmem>> -> memref<1x100xi32, #tpu.memory_space<vmem>>
      %dma_wait3A_131 = tpu.memref_squeeze %dma_wait3A_130 : memref<1x100xi32, #tpu.memory_space<vmem>> -> memref<100xi32, #tpu.memory_space<vmem>>
      %dma_wait3A_132 = arith.constant 0 : i32
      %dma_wait3A_133 = arith.constant 0 : i32
      %dma_wait3A_134 = tpu.memref_slice %arg8[%dma_wait3A_132, %dma_wait3A_133] : memref<10000x128xf32, #tpu.memory_space<vmem_shared>> -> memref<10000x128xf32, #tpu.memory_space<vmem_shared>>
      tpu.wait_indirect_dma semaphore(%arg12 : memref<!tpu.dma_semaphore, #tpu.memory_space<semaphore_mem>>) src(%dma_wait3A_128 : memref<100x128xf32, #tpu.memory_space<vmem>>) dst(%dma_wait3A_134 : memref<10000x128xf32, #tpu.memory_space<vmem_shared>>)
    }
    %scan3A_39 = arith.constant 50 : i32
    %barrier3A_40 = arith.constant 0 : index
    tpu.barrier barrier_id(%barrier3A_40)
    %mul3A_41 = arith.constant 624 : i32
    %mul3A_42 = arith.muli %arg1, %mul3A_41 : i32
    %mul3A_43 = arith.constant 624 : i32
    %mul3A_44 = arith.muli %arg1, %mul3A_43 : i32
    "tpu.region"() ({
      %run_scoped3A_50 = tpu.sem_alloc : memref<!tpu.dma_semaphore, #tpu.memory_space<semaphore_mem>>
      %dma_start3A_51 = arith.constant 0 : i32
      %dma_start3A_52 = tpu.memref_slice %arg4[%arg0, %mul3A_44, %dma_start3A_51] : memref<2x10000x128xf32, #tpu.memory_space<hbm>> -> memref<1x624x128xf32, #tpu.memory_space<hbm>>
      %dma_start3A_53 = tpu.memref_squeeze %dma_start3A_52 : memref<1x624x128xf32, #tpu.memory_space<hbm>> -> memref<624x128xf32, #tpu.memory_space<hbm>>
      %dma_start3A_54 = arith.constant 0 : i32
      %dma_start3A_55 = tpu.memref_slice %arg8[%mul3A_42, %dma_start3A_54] : memref<10000x128xf32, #tpu.memory_space<vmem_shared>> -> memref<624x128xf32, #tpu.memory_space<vmem_shared>>
      tpu.enqueue_dma source(%dma_start3A_55 : memref<624x128xf32, #tpu.memory_space<vmem_shared>>) target(%dma_start3A_53 : memref<624x128xf32, #tpu.memory_space<hbm>>) target_semaphore(%run_scoped3A_50 : memref<!tpu.dma_semaphore, #tpu.memory_space<semaphore_mem>>)
      %dma_wait3A = arith.constant 0 : i32
      %dma_wait3A_56 = tpu.memref_slice %arg4[%arg0, %mul3A_44, %dma_wait3A] : memref<2x10000x128xf32, #tpu.memory_space<hbm>> -> memref<1x624x128xf32, #tpu.memory_space<hbm>>
      %dma_wait3A_57 = tpu.memref_squeeze %dma_wait3A_56 : memref<1x624x128xf32, #tpu.memory_space<hbm>> -> memref<624x128xf32, #tpu.memory_space<hbm>>
      %dma_wait3A_58 = arith.constant 0 : i32
      %dma_wait3A_59 = tpu.memref_slice %arg8[%mul3A_42, %dma_wait3A_58] : memref<10000x128xf32, #tpu.memory_space<vmem_shared>> -> memref<624x128xf32, #tpu.memory_space<vmem_shared>>
      tpu.wait_dma2 semaphore(%run_scoped3A_50 : memref<!tpu.dma_semaphore, #tpu.memory_space<semaphore_mem>>) src(%dma_wait3A_59 : memref<624x128xf32, #tpu.memory_space<vmem_shared>>) dst(%dma_wait3A_57 : memref<624x128xf32, #tpu.memory_space<hbm>>)
      tpu.yield
    }) : () -> ()
    %eq3A_45 = arith.constant 15 : i32
    %eq3A_46 = arith.cmpi eq, %arg1, %eq3A_45 : i32
    %convert_element_type3A_47 = arith.extui %eq3A_46 : i1 to i32
    %cond3A_48 = arith.constant 0 : i32
    %cond3A_49 = arith.cmpi ne, %convert_element_type3A_47, %cond3A_48 : i32
    scf.if %cond3A_49 {
      "tpu.region"() ({
        %run_scoped3A_50 = tpu.sem_alloc : memref<!tpu.dma_semaphore, #tpu.memory_space<semaphore_mem>>
        %dma_start3A_51 = arith.constant 9984 : i32
        %dma_start3A_52 = arith.constant 0 : i32
        %dma_start3A_53 = tpu.memref_slice %arg4[%arg0, %dma_start3A_51, %dma_start3A_52] : memref<2x10000x128xf32, #tpu.memory_space<hbm>> -> memref<1x16x128xf32, #tpu.memory_space<hbm>>
        %dma_start3A_54 = tpu.memref_squeeze %dma_start3A_53 : memref<1x16x128xf32, #tpu.memory_space<hbm>> -> memref<16x128xf32, #tpu.memory_space<hbm>>
        %dma_start3A_55 = arith.constant 9984 : i32
        %dma_start3A_56 = arith.constant 0 : i32
        %dma_start3A_57 = tpu.memref_slice %arg8[%dma_start3A_55, %dma_start3A_56] : memref<10000x128xf32, #tpu.memory_space<vmem_shared>> -> memref<16x128xf32, #tpu.memory_space<vmem_shared>>
        tpu.enqueue_dma source(%dma_start3A_57 : memref<16x128xf32, #tpu.memory_space<vmem_shared>>) target(%dma_start3A_54 : memref<16x128xf32, #tpu.memory_space<hbm>>) target_semaphore(%run_scoped3A_50 : memref<!tpu.dma_semaphore, #tpu.memory_space<semaphore_mem>>)
        %dma_wait3A = arith.constant 9984 : i32
        %dma_wait3A_58 = arith.constant 0 : i32
        %dma_wait3A_59 = tpu.memref_slice %arg4[%arg0, %dma_wait3A, %dma_wait3A_58] : memref<2x10000x128xf32, #tpu.memory_space<hbm>> -> memref<1x16x128xf32, #tpu.memory_space<hbm>>
        %dma_wait3A_60 = tpu.memref_squeeze %dma_wait3A_59 : memref<1x16x128xf32, #tpu.memory_space<hbm>> -> memref<16x128xf32, #tpu.memory_space<hbm>>
        %dma_wait3A_61 = arith.constant 9984 : i32
        %dma_wait3A_62 = arith.constant 0 : i32
        %dma_wait3A_63 = tpu.memref_slice %arg8[%dma_wait3A_61, %dma_wait3A_62] : memref<10000x128xf32, #tpu.memory_space<vmem_shared>> -> memref<16x128xf32, #tpu.memory_space<vmem_shared>>
        tpu.wait_dma2 semaphore(%run_scoped3A_50 : memref<!tpu.dma_semaphore, #tpu.memory_space<semaphore_mem>>) src(%dma_wait3A_63 : memref<16x128xf32, #tpu.memory_space<vmem_shared>>) dst(%dma_wait3A_60 : memref<16x128xf32, #tpu.memory_space<hbm>>)
        tpu.yield
      }) : () -> ()
    } else {
    }
    return
  }
}

module attributes {stable_mosaic.version = 14 : i64} {
  func.func @body(%arg0: i32, %arg1: memref<2000x128xf32, #tpu.memory_space<vmem>>, %arg2: memref<2x2000x128xf32, #tpu.memory_space<vmem>>, %arg3: memref<128x128xf32, #tpu.memory_space<vmem>>, %arg4: memref<1x128xf32, #tpu.memory_space<vmem>>, %arg5: memref<2000x128xf32, #tpu.memory_space<vmem>>) attributes {dimension_semantics = [#tpu.dimension_semantics<arbitrary>], iteration_bounds = array<i64: 5>, scalar_prefetch = 0 : i64, scratch_operands = 0 : i64, tpu.core_type = #tpu.core_type<tc>, window_params = [{transform_indices = @transform_0, window_bounds = array<i64: 2000, 128>}, {transform_indices = @transform_1, window_bounds = array<i64: 2, 2000, 128>}, {pipeline_mode = #tpu.pipeline_mode<synchronous>, transform_indices = @transform_2, window_bounds = array<i64: 128, 128>}, {pipeline_mode = #tpu.pipeline_mode<synchronous>, transform_indices = @transform_3, window_bounds = array<i64: 1, 128>}, {transform_indices = @transform_4, window_bounds = array<i64: 2000, 128>}]} {
    %get3A = arith.constant 0 : index
    %get3A_0 = arith.constant 0 : index
    %get3A_1 = vector.load %arg1[%get3A, %get3A_0] : memref<2000x128xf32, #tpu.memory_space<vmem>>, vector<2000x128xf32>
    %get3A_2 = arith.constant 0 : index
    %get3A_3 = arith.constant 0 : index
    %get3A_4 = arith.constant 0 : index
    %get3A_5 = vector.load %arg2[%get3A_2, %get3A_3, %get3A_4] : memref<2x2000x128xf32, #tpu.memory_space<vmem>>, vector<1x2000x128xf32>
    %get3A_6 = vector.shape_cast %get3A_5 : vector<1x2000x128xf32> to vector<2000x128xf32>
    %add3A = arith.addf %get3A_1, %get3A_6 : vector<2000x128xf32>
    %get3A_7 = arith.constant 1 : index
    %get3A_8 = arith.constant 0 : index
    %get3A_9 = arith.constant 0 : index
    %get3A_10 = vector.load %arg2[%get3A_7, %get3A_8, %get3A_9] : memref<2x2000x128xf32, #tpu.memory_space<vmem>>, vector<1x2000x128xf32>
    %get3A_11 = vector.shape_cast %get3A_10 : vector<1x2000x128xf32> to vector<2000x128xf32>
    %add3A_12 = arith.addf %add3A, %get3A_11 : vector<2000x128xf32>
    %get3A_13 = arith.constant 0 : index
    %get3A_14 = arith.constant 0 : index
    %get3A_15 = vector.load %arg3[%get3A_13, %get3A_14] : memref<128x128xf32, #tpu.memory_space<vmem>>, vector<128x128xf32>
    %dot_general3A = arith.constant dense<0.000000e+00> : vector<2000x128xf32>
    %dot_general3A_16 = tpu.matmul %add3A_12, %get3A_15, %dot_general3A {dimension_numbers = #tpu.dot_dimension_numbers<[1], [0], [0], [1], [0, 0, 1, 1], [], []>, transpose_lhs_hint = false} : vector<2000x128xf32>, vector<128x128xf32>, vector<2000x128xf32> -> vector<2000x128xf32>
    %get3A_17 = arith.constant 0 : index
    %get3A_18 = arith.constant 0 : index
    %get3A_19 = vector.load %arg4[%get3A_17, %get3A_18] : memref<1x128xf32, #tpu.memory_space<vmem>>, vector<1x128xf32>
    %add3A_20 = vector.broadcast %get3A_19 : vector<1x128xf32> to vector<2000x128xf32>
    %add3A_21 = arith.addf %dot_general3A_16, %add3A_20 : vector<2000x128xf32>
    %max3A = arith.constant 0.000000e+00 : f32
    %max3A_22 = vector.broadcast %max3A : f32 to vector<2000x128xf32>
    %max3A_23 = arith.maximumf %add3A_21, %max3A_22 : vector<2000x128xf32>
    %swap3A = arith.constant 0 : index
    %swap3A_24 = arith.constant 0 : index
    %swap3A_25 = vector.load %arg5[%swap3A, %swap3A_24] : memref<2000x128xf32, #tpu.memory_space<vmem>>, vector<2000x128xf32>
    tpu.vector_store %arg5[%swap3A, %swap3A_24], %max3A_23 {strides = array<i32>} : memref<2000x128xf32, #tpu.memory_space<vmem>>, vector<2000x128xf32>,
    return
  }
  func.func @transform_0(%arg0: i32) -> (i32, i32) {
    %c0_i32 = arith.constant 0 : i32
    %c0_i32_0 = arith.constant 0 : i32
    return %arg0, %c0_i32 : i32, i32
  }
  func.func @transform_1(%arg0: i32) -> (i32, i32, i32) {
    %c0_i32 = arith.constant 0 : i32
    %c0_i32_0 = arith.constant 0 : i32
    %c0_i32_1 = arith.constant 0 : i32
    return %c0_i32, %arg0, %c0_i32_0 : i32, i32, i32
  }
  func.func @transform_2(%arg0: i32) -> (i32, i32) {
    %c0_i32 = arith.constant 0 : i32
    %c0_i32_0 = arith.constant 0 : i32
    %c0_i32_1 = arith.constant 0 : i32
    return %c0_i32, %c0_i32_0 : i32, i32
  }
  func.func @transform_3(%arg0: i32) -> (i32, i32) {
    %c0_i32 = arith.constant 0 : i32
    %c0_i32_0 = arith.constant 0 : i32
    %c0_i32_1 = arith.constant 0 : i32
    return %c0_i32, %c0_i32_0 : i32, i32
  }
  func.func @transform_4(%arg0: i32) -> (i32, i32) {
    %c0_i32 = arith.constant 0 : i32
    %c0_i32_0 = arith.constant 0 : i32
    return %arg0, %c0_i32 : i32, i32
  }
}

module attributes {stable_mosaic.version = 14 : i64} {
  func.func @body(%arg0: i32, %arg1: memref<2000x128xf32, #tpu.memory_space<vmem>>, %arg2: memref<2x2000x128xf32, #tpu.memory_space<vmem>>, %arg3: memref<128x128xf32, #tpu.memory_space<vmem>>, %arg4: memref<1x128xf32, #tpu.memory_space<vmem>>, %arg5: memref<2x128xf32, #tpu.memory_space<vmem>>, %arg6: memref<1x1xf32, #tpu.memory_space<vmem>>, %arg7: memref<6x2xf32, #tpu.memory_space<vmem>>, %arg8: memref<1x2xf32, #tpu.memory_space<vmem>>, %arg9: memref<1x2xf32, #tpu.memory_space<vmem>>, %arg10: memref<1x128xf32, #tpu.memory_space<vmem>>, %arg11: memref<6x128xf32, #tpu.memory_space<vmem>>) attributes {dimension_semantics = [#tpu.dimension_semantics<arbitrary>], iteration_bounds = array<i64: 5>, scalar_prefetch = 0 : i64, scratch_operands = 2 : i64, tpu.core_type = #tpu.core_type<tc>, window_params = [{transform_indices = @transform_0, window_bounds = array<i64: 2000, 128>}, {transform_indices = @transform_1, window_bounds = array<i64: 2, 2000, 128>}, {pipeline_mode = #tpu.pipeline_mode<synchronous>, transform_indices = @transform_2, window_bounds = array<i64: 128, 128>}, {pipeline_mode = #tpu.pipeline_mode<synchronous>, transform_indices = @transform_3, window_bounds = array<i64: 1, 128>}, {pipeline_mode = #tpu.pipeline_mode<synchronous>, transform_indices = @transform_4, window_bounds = array<i64: 2, 128>}, {pipeline_mode = #tpu.pipeline_mode<synchronous>, transform_indices = @transform_5, window_bounds = array<i64: 1, 1>}, {pipeline_mode = #tpu.pipeline_mode<synchronous>, transform_indices = @transform_6, window_bounds = array<i64: 6, 2>}, {pipeline_mode = #tpu.pipeline_mode<synchronous>, transform_indices = @transform_7, window_bounds = array<i64: 1, 2>}, {pipeline_mode = #tpu.pipeline_mode<synchronous>, transform_indices = @transform_8, window_bounds = array<i64: 1, 2>}]} {
    %get3A = arith.constant 0 : index
    %get3A_0 = arith.constant 0 : index
    %get3A_1 = vector.load %arg1[%get3A, %get3A_0] : memref<2000x128xf32, #tpu.memory_space<vmem>>, vector<2000x128xf32>
    %get3A_2 = arith.constant 0 : index
    %get3A_3 = arith.constant 0 : index
    %get3A_4 = arith.constant 0 : index
    %get3A_5 = vector.load %arg2[%get3A_2, %get3A_3, %get3A_4] : memref<2x2000x128xf32, #tpu.memory_space<vmem>>, vector<1x2000x128xf32>
    %get3A_6 = vector.shape_cast %get3A_5 : vector<1x2000x128xf32> to vector<2000x128xf32>
    %add3A = arith.addf %get3A_1, %get3A_6 : vector<2000x128xf32>
    %get3A_7 = arith.constant 1 : index
    %get3A_8 = arith.constant 0 : index
    %get3A_9 = arith.constant 0 : index
    %get3A_10 = vector.load %arg2[%get3A_7, %get3A_8, %get3A_9] : memref<2x2000x128xf32, #tpu.memory_space<vmem>>, vector<1x2000x128xf32>
    %get3A_11 = vector.shape_cast %get3A_10 : vector<1x2000x128xf32> to vector<2000x128xf32>
    %add3A_12 = arith.addf %add3A, %get3A_11 : vector<2000x128xf32>
    %get3A_13 = arith.constant 0 : index
    %get3A_14 = arith.constant 0 : index
    %get3A_15 = vector.load %arg3[%get3A_13, %get3A_14] : memref<128x128xf32, #tpu.memory_space<vmem>>, vector<128x128xf32>
    %dot_general3A = arith.constant dense<0.000000e+00> : vector<2000x128xf32>
    %dot_general3A_16 = tpu.matmul %add3A_12, %get3A_15, %dot_general3A {dimension_numbers = #tpu.dot_dimension_numbers<[1], [0], [0], [1], [0, 0, 1, 1], [], []>, transpose_lhs_hint = false} : vector<2000x128xf32>, vector<128x128xf32>, vector<2000x128xf32> -> vector<2000x128xf32>
    %get3A_17 = arith.constant 0 : index
    %get3A_18 = arith.constant 0 : index
    %get3A_19 = vector.load %arg4[%get3A_17, %get3A_18] : memref<1x128xf32, #tpu.memory_space<vmem>>, vector<1x128xf32>
    %add3A_20 = vector.broadcast %get3A_19 : vector<1x128xf32> to vector<2000x128xf32>
    %add3A_21 = arith.addf %dot_general3A_16, %add3A_20 : vector<2000x128xf32>
    %max3A = arith.constant 0.000000e+00 : f32
    %max3A_22 = vector.broadcast %max3A : f32 to vector<2000x128xf32>
    %max3A_23 = arith.maximumf %add3A_21, %max3A_22 : vector<2000x128xf32>
    %reduce_sum3A = arith.constant dense<0.000000e+00> : vector<128xf32>
    %reduce_sum3A_24 = vector.multi_reduction <add>, %max3A_23, %reduce_sum3A [0] : vector<2000x128xf32> to vector<128xf32>
    %broadcast_in_dim3A = vector.shape_cast %reduce_sum3A_24 : vector<128xf32> to vector<1x128xf32>
    %eq3A = arith.constant 0 : i32
    %eq3A_25 = arith.cmpi eq, %arg0, %eq3A : i32
    %convert_element_type3A = arith.extui %eq3A_25 : i1 to i32
    %cond3A = arith.constant 0 : i32
    %cond3A_26 = arith.cmpi ne, %convert_element_type3A, %cond3A : i32
    scf.if %cond3A_26 {
      %swap3A = arith.constant 0 : index
      %swap3A_36 = arith.constant 0 : index
      %swap3A_37 = vector.load %arg10[%swap3A, %swap3A_36] : memref<1x128xf32, #tpu.memory_space<vmem>>, vector<1x128xf32>
      tpu.vector_store %arg10[%swap3A, %swap3A_36], %broadcast_in_dim3A {strides = array<i32>} : memref<1x128xf32, #tpu.memory_space<vmem>>, vector<1x128xf32>,
      %slice3A = vector.extract_strided_slice %max3A_23 {offsets = [0, 0], sizes = [20, 128], strides = [1, 1]} : vector<2000x128xf32> to vector<20x128xf32>
      %reduce_sum3A_38 = arith.constant dense<0.000000e+00> : vector<128xf32>
      %reduce_sum3A_39 = vector.multi_reduction <add>, %slice3A, %reduce_sum3A_38 [0] : vector<20x128xf32> to vector<128xf32>
      %broadcast_in_dim3A_40 = vector.shape_cast %reduce_sum3A_39 : vector<128xf32> to vector<1x128xf32>
      %slice3A_41 = vector.extract_strided_slice %max3A_23 {offsets = [20, 0], sizes = [20, 128], strides = [1, 1]} : vector<2000x128xf32> to vector<20x128xf32>
      %reduce_sum3A_42 = arith.constant dense<0.000000e+00> : vector<128xf32>
      %reduce_sum3A_43 = vector.multi_reduction <add>, %slice3A_41, %reduce_sum3A_42 [0] : vector<20x128xf32> to vector<128xf32>
      %broadcast_in_dim3A_44 = vector.shape_cast %reduce_sum3A_43 : vector<128xf32> to vector<1x128xf32>
      %slice3A_45 = vector.extract_strided_slice %max3A_23 {offsets = [40, 0], sizes = [20, 128], strides = [1, 1]} : vector<2000x128xf32> to vector<20x128xf32>
      %reduce_sum3A_46 = arith.constant dense<0.000000e+00> : vector<128xf32>
      %reduce_sum3A_47 = vector.multi_reduction <add>, %slice3A_45, %reduce_sum3A_46 [0] : vector<20x128xf32> to vector<128xf32>
      %broadcast_in_dim3A_48 = vector.shape_cast %reduce_sum3A_47 : vector<128xf32> to vector<1x128xf32>
      %slice3A_49 = vector.extract_strided_slice %max3A_23 {offsets = [60, 0], sizes = [20, 128], strides = [1, 1]} : vector<2000x128xf32> to vector<20x128xf32>
      %reduce_sum3A_50 = arith.constant dense<0.000000e+00> : vector<128xf32>
      %reduce_sum3A_51 = vector.multi_reduction <add>, %slice3A_49, %reduce_sum3A_50 [0] : vector<20x128xf32> to vector<128xf32>
      %broadcast_in_dim3A_52 = vector.shape_cast %reduce_sum3A_51 : vector<128xf32> to vector<1x128xf32>
      %slice3A_53 = vector.extract_strided_slice %max3A_23 {offsets = [80, 0], sizes = [20, 128], strides = [1, 1]} : vector<2000x128xf32> to vector<20x128xf32>
      %reduce_sum3A_54 = arith.constant dense<0.000000e+00> : vector<128xf32>
      %reduce_sum3A_55 = vector.multi_reduction <add>, %slice3A_53, %reduce_sum3A_54 [0] : vector<20x128xf32> to vector<128xf32>
      %broadcast_in_dim3A_56 = vector.shape_cast %reduce_sum3A_55 : vector<128xf32> to vector<1x128xf32>
      %slice3A_57 = vector.extract_strided_slice %max3A_23 {offsets = [100, 0], sizes = [20, 128], strides = [1, 1]} : vector<2000x128xf32> to vector<20x128xf32>
      %reduce_sum3A_58 = arith.constant dense<0.000000e+00> : vector<128xf32>
      %reduce_sum3A_59 = vector.multi_reduction <add>, %slice3A_57, %reduce_sum3A_58 [0] : vector<20x128xf32> to vector<128xf32>
      %broadcast_in_dim3A_60 = vector.shape_cast %reduce_sum3A_59 : vector<128xf32> to vector<1x128xf32>
      %concatenate3A = tpu.concatenate %broadcast_in_dim3A_40, %broadcast_in_dim3A_44, %broadcast_in_dim3A_48, %broadcast_in_dim3A_52, %broadcast_in_dim3A_56, %broadcast_in_dim3A_60 in 0 : vector<1x128xf32>, vector<1x128xf32>, vector<1x128xf32>, vector<1x128xf32>, vector<1x128xf32>, vector<1x128xf32> -> vector<6x128xf32>
      %swap3A_61 = arith.constant 0 : index
      %swap3A_62 = arith.constant 0 : index
      %swap3A_63 = vector.load %arg11[%swap3A_61, %swap3A_62] : memref<6x128xf32, #tpu.memory_space<vmem>>, vector<6x128xf32>
      tpu.vector_store %arg11[%swap3A_61, %swap3A_62], %concatenate3A {strides = array<i32>} : memref<6x128xf32, #tpu.memory_space<vmem>>, vector<6x128xf32>,
    } else {
    }
    %gt3A = arith.constant 0 : i32
    %gt3A_27 = arith.cmpi sgt, %arg0, %gt3A : i32
    %convert_element_type3A_28 = arith.extui %gt3A_27 : i1 to i32
    %cond3A_29 = arith.constant 0 : i32
    %cond3A_30 = arith.cmpi ne, %convert_element_type3A_28, %cond3A_29 : i32
    scf.if %cond3A_30 {
      %get3A_36 = arith.constant 0 : index
      %get3A_37 = arith.constant 0 : index
      %get3A_38 = vector.load %arg10[%get3A_36, %get3A_37] : memref<1x128xf32, #tpu.memory_space<vmem>>, vector<1x128xf32>
      %add3A_39 = arith.addf %get3A_38, %broadcast_in_dim3A : vector<1x128xf32>
      %swap3A = arith.constant 0 : index
      %swap3A_40 = arith.constant 0 : index
      %swap3A_41 = vector.load %arg10[%swap3A, %swap3A_40] : memref<1x128xf32, #tpu.memory_space<vmem>>, vector<1x128xf32>
      tpu.vector_store %arg10[%swap3A, %swap3A_40], %add3A_39 {strides = array<i32>} : memref<1x128xf32, #tpu.memory_space<vmem>>, vector<1x128xf32>,
    } else {
    }
    %eq3A_31 = arith.constant 4 : i32
    %eq3A_32 = arith.cmpi eq, %arg0, %eq3A_31 : i32
    %convert_element_type3A_33 = arith.extui %eq3A_32 : i1 to i32
    %cond3A_34 = arith.constant 0 : i32
    %cond3A_35 = arith.cmpi ne, %convert_element_type3A_33, %cond3A_34 : i32
    scf.if %cond3A_35 {
      %get3A_36 = arith.constant 0 : index
      %get3A_37 = arith.constant 0 : index
      %get3A_38 = vector.load %arg10[%get3A_36, %get3A_37] : memref<1x128xf32, #tpu.memory_space<vmem>>, vector<1x128xf32>
      %mul3A = arith.constant 9.99999974E-5 : f32
      %mul3A_39 = vector.broadcast %mul3A : f32 to vector<1x128xf32>
      %mul3A_40 = arith.mulf %get3A_38, %mul3A_39 : vector<1x128xf32>
      %get3A_41 = arith.constant 0 : index
      %get3A_42 = arith.constant 0 : index
      %get3A_43 = vector.load %arg5[%get3A_41, %get3A_42] : memref<2x128xf32, #tpu.memory_space<vmem>>, vector<1x128xf32>
      %get3A_44 = arith.constant 1 : index
      %get3A_45 = arith.constant 0 : index
      %get3A_46 = vector.load %arg5[%get3A_44, %get3A_45] : memref<2x128xf32, #tpu.memory_space<vmem>>, vector<1x128xf32>
      %mul3A_47 = arith.mulf %mul3A_40, %get3A_43 : vector<1x128xf32>
      %reduce_sum3A_48 = arith.constant dense<0.000000e+00> : vector<1xf32>
      %reduce_sum3A_49 = vector.multi_reduction <add>, %mul3A_47, %reduce_sum3A_48 [1] : vector<1x128xf32> to vector<1xf32>
      %broadcast_in_dim3A_50 = vector.shape_cast %reduce_sum3A_49 : vector<1xf32> to vector<1x1xf32>
      %get3A_51 = arith.constant 0 : index
      %get3A_52 = arith.constant 0 : index
      %get3A_53 = vector.load %arg11[%get3A_51, %get3A_52] : memref<6x128xf32, #tpu.memory_space<vmem>>, vector<6x128xf32>
      %mul3A_54 = vector.broadcast %get3A_46 : vector<1x128xf32> to vector<6x128xf32>
      %mul3A_55 = arith.mulf %get3A_53, %mul3A_54 : vector<6x128xf32>
      %reduce_sum3A_56 = arith.constant dense<0.000000e+00> : vector<6xf32>
      %reduce_sum3A_57 = vector.multi_reduction <add>, %mul3A_55, %reduce_sum3A_56 [1] : vector<6x128xf32> to vector<6xf32>
      %broadcast_in_dim3A_58 = vector.shape_cast %reduce_sum3A_57 : vector<6xf32> to vector<6x1xf32>
      %add3A_59 = vector.broadcast %broadcast_in_dim3A_50 : vector<1x1xf32> to vector<6x1xf32>
      %add3A_60 = arith.addf %add3A_59, %broadcast_in_dim3A_58 : vector<6x1xf32>
      %get3A_61 = arith.constant 0 : index
      %get3A_62 = arith.constant 0 : index
      %get3A_63 = vector.load %arg6[%get3A_61, %get3A_62] : memref<1x1xf32, #tpu.memory_space<vmem>>, vector<1x1xf32>
      %get3A_64 = vector.extract %get3A_63[0, 0] : f32 from vector<1x1xf32>
      %add3A_65 = vector.broadcast %get3A_64 : f32 to vector<6x1xf32>
      %add3A_66 = arith.addf %add3A_60, %add3A_65 : vector<6x1xf32>
      %tanh3A = math.tanh %add3A_66 : vector<6x1xf32>
      %get3A_67 = arith.constant 0 : index
      %get3A_68 = arith.constant 0 : index
      %get3A_69 = vector.load %arg7[%get3A_67, %get3A_68] : memref<6x2xf32, #tpu.memory_space<vmem>>, vector<6x2xf32>
      %mul3A_70 = vector.broadcast %tanh3A : vector<6x1xf32> to vector<6x2xf32>
      %mul3A_71 = arith.mulf %mul3A_70, %get3A_69 : vector<6x2xf32>
      %reduce_sum3A_72 = arith.constant dense<0.000000e+00> : vector<2xf32>
      %reduce_sum3A_73 = vector.multi_reduction <add>, %mul3A_71, %reduce_sum3A_72 [0] : vector<6x2xf32> to vector<2xf32>
      %broadcast_in_dim3A_74 = vector.shape_cast %reduce_sum3A_73 : vector<2xf32> to vector<1x2xf32>
      %get3A_75 = arith.constant 0 : index
      %get3A_76 = arith.constant 0 : index
      %get3A_77 = vector.load %arg8[%get3A_75, %get3A_76] : memref<1x2xf32, #tpu.memory_space<vmem>>, vector<1x2xf32>
      %add3A_78 = arith.addf %broadcast_in_dim3A_74, %get3A_77 : vector<1x2xf32>
      %reduce_max3A = arith.constant dense<0xFF800000> : vector<1xf32>
      %reduce_max3A_79 = vector.multi_reduction <maximumf>, %add3A_78, %reduce_max3A [1] : vector<1x2xf32> to vector<1xf32>
      %broadcast_in_dim3A_80 = vector.shape_cast %reduce_max3A_79 : vector<1xf32> to vector<1x1xf32>
      %sub3A = vector.broadcast %broadcast_in_dim3A_80 : vector<1x1xf32> to vector<1x2xf32>
      %sub3A_81 = arith.subf %add3A_78, %sub3A : vector<1x2xf32>
      %exp3A = math.exp %sub3A_81 : vector<1x2xf32>
      %reduce_sum3A_82 = arith.constant dense<0.000000e+00> : vector<1xf32>
      %reduce_sum3A_83 = vector.multi_reduction <add>, %exp3A, %reduce_sum3A_82 [1] : vector<1x2xf32> to vector<1xf32>
      %broadcast_in_dim3A_84 = vector.shape_cast %reduce_sum3A_83 : vector<1xf32> to vector<1x1xf32>
      %div3A = vector.broadcast %broadcast_in_dim3A_84 : vector<1x1xf32> to vector<1x2xf32>
      %div3A_85 = arith.divf %exp3A, %div3A : vector<1x2xf32>
      %swap3A = arith.constant 0 : index
      %swap3A_86 = arith.constant 0 : index
      %swap3A_87 = vector.load %arg9[%swap3A, %swap3A_86] : memref<1x2xf32, #tpu.memory_space<vmem>>, vector<1x2xf32>
      tpu.vector_store %arg9[%swap3A, %swap3A_86], %div3A_85 {strides = array<i32>} : memref<1x2xf32, #tpu.memory_space<vmem>>, vector<1x2xf32>,
    } else {
    }
    return
  }
  func.func @transform_0(%arg0: i32) -> (i32, i32) {
    %c0_i32 = arith.constant 0 : i32
    %c0_i32_0 = arith.constant 0 : i32
    return %arg0, %c0_i32 : i32, i32
  }
  func.func @transform_1(%arg0: i32) -> (i32, i32, i32) {
    %c0_i32 = arith.constant 0 : i32
    %c0_i32_0 = arith.constant 0 : i32
    %c0_i32_1 = arith.constant 0 : i32
    return %c0_i32, %arg0, %c0_i32_0 : i32, i32, i32
  }
  func.func @transform_2(%arg0: i32) -> (i32, i32) {
    %c0_i32 = arith.constant 0 : i32
    %c0_i32_0 = arith.constant 0 : i32
    %c0_i32_1 = arith.constant 0 : i32
    return %c0_i32, %c0_i32_0 : i32, i32
  }
  func.func @transform_3(%arg0: i32) -> (i32, i32) {
    %c0_i32 = arith.constant 0 : i32
    %c0_i32_0 = arith.constant 0 : i32
    %c0_i32_1 = arith.constant 0 : i32
    return %c0_i32, %c0_i32_0 : i32, i32
  }
  func.func @transform_4(%arg0: i32) -> (i32, i32) {
    %c0_i32 = arith.constant 0 : i32
    %c0_i32_0 = arith.constant 0 : i32
    %c0_i32_1 = arith.constant 0 : i32
    return %c0_i32, %c0_i32_0 : i32, i32
  }
  func.func @transform_5(%arg0: i32) -> (i32, i32) {
    %c0_i32 = arith.constant 0 : i32
    %c0_i32_0 = arith.constant 0 : i32
    %c0_i32_1 = arith.constant 0 : i32
    return %c0_i32, %c0_i32_0 : i32, i32
  }
  func.func @transform_6(%arg0: i32) -> (i32, i32) {
    %c0_i32 = arith.constant 0 : i32
    %c0_i32_0 = arith.constant 0 : i32
    %c0_i32_1 = arith.constant 0 : i32
    return %c0_i32, %c0_i32_0 : i32, i32
  }
  func.func @transform_7(%arg0: i32) -> (i32, i32) {
    %c0_i32 = arith.constant 0 : i32
    %c0_i32_0 = arith.constant 0 : i32
    %c0_i32_1 = arith.constant 0 : i32
    return %c0_i32, %c0_i32_0 : i32, i32
  }
  func.func @transform_8(%arg0: i32) -> (i32, i32) {
    %c0_i32 = arith.constant 0 : i32
    %c0_i32_0 = arith.constant 0 : i32
    %c0_i32_1 = arith.constant 0 : i32
    return %c0_i32, %c0_i32_0 : i32, i32
  }
}

</mosaic_0001>

<sc_bundles>
// kernel: kernel.6.cloned.1.call-start
scs
__scs_entry_jumppad:
0x0: {  	(pc) =	sbr.rel $0x88, $3  }
0x1: {  	(tag) =	ssettag $0x0;
	lr =	simm.s32 $0x1  }
0x2: {  	[smem:$0x3F97] =	sst lr;
	_ =	strace $0xD0000000  }
0x3: {  	_ = 	snop  }
0x4: {  	_ = 	snop  }
0x5: {  	_ = 	snop  }
0x6: {  	_ = 	snop  }
0x7: {  	_ = 	snop  }
__scs_overlays_trampoline_lowered:
0x8: {  	[smem:$0x3FA6] =	sst s0  }
0x9: {  	[smem:$0x3FA7] =	sst s1  }
0xa: {  	[smem:$0x3FA8] =	sst s2  }
0xb: {  	[smem:$0x3FA9] =	sst s3  }
0xc: {  	[smem:$0x3FAA] =	sst s4  }
0xd: {  	[smem:$0x3FAB] =	sst s5  }
0xe: {  	[smem:$0x3FAC] =	sst s6  }
0xf: {  	[smem:$0x3FAD] =	sst s7  }
0x10: {  	[smem:$0x3FAE] =	sst s8  }
0x11: {  	[smem:$0x3FAF] =	sst s9;
	s0 =	simm.s32 @!p0 $0x0  }
0x12: {  	s1 =	sld [smem:$0x3F95];
	s0 =	simm.s32 @p0 $0x1  }
0x13: {  	[smem:$0x3FB0] =	sst s0;
	s0 =	simm.s32 @!p1 $0x0  }
0x14: {  	s2 =	sld [smem:$0x3F94];
	s0 =	simm.s32 @p1 $0x1  }
0x15: {  	[smem:$0x3FB1] =	sst s0;
	s0 =	simm.s32 @!p2 $0x0  }
0x16: {  	s3 =	sld [smem:$0x3FDB];
	s0 =	simm.s32 @p2 $0x1  }
0x17: {  	s4 =	simm.s32 $0x1BF5;
	[smem:$0x3FB3] =	sst s0  }
0x18: {  	s0 =	sld [smem:$0x3F96];
	_ =	swait.ge [sflag:s4], $0x0  }
0x19: {  	s7 =	sld [smem:$0x3F97]  }
0x1a: {  	s8 =	sadd.s32 $0xFFFFE003, lr  }
0x1b: {  	s9 =	sadd.s32 $0xFFFFFEF7, lr;
	s5 =	simm.s32 $0xFFFFFFFF;
	p2 =	slt.u32 s8, $0xFFFFF086  }
0x1c: {  	p1 =	slt.u32 s9, $0xF7A;
	s5 =	simm.s32 @!p2 $0x0  }
0x1d: {  	s5 =	simm.s32 @p1 $0x1;
	p0 =	seq.s32 s7, s2  }
0x1e: {  	s7 =	smul.u32 @!p0 $0xF7A, s2;
	p2 =	seq.s32 @!p0 s5, $0x0  }
0x1f: {  	s9 =	smul.u32 $0xF7A, s1;
	s8 =	simm.s32 @!p0 $0x1BF5;
	p2 =	por !p2, p0  }
0x20: {  	[sflag:s8] =	ssyncset.s32 @!p0 $0xFFFFF086;
	s6 =	sadd.s32 @!p0 s3, s7;
	s7 =	simm.s32 @!p0 $0x108  }
0x21: {  	s3 =	sadd.s32 s3, s9;
	s6 =	sadd.s32 @!p0 $0x88, s6;
	s7 =	simm.s32 @p2 $0x1082  }
0x22: {  	[simem:s7], [sflag:s8] =	dma.local @!p0 [hbm:s6], $0xF7A  }
0x23: {  	s9 =	sor.u32 $0xD0000000, s2;
	s6 =	simm.s32 $0x108;
	_ =	swait.ge @!p0 [sflag:s8], $0x0  }
0x24: {  	s3 =	sadd.s32 $0x88, s3;
	s6 =	simm.s32 @!p1 $0x1082;
	[sflag:s4] =	ssyncset.s32 $0xFFFFF086  }
0x25: {  	[simem:s6], [sflag:s4] =	dma.local [hbm:s3], $0xF7A  }
0x26: {  	[smem:$0x3F97] =	sst s1;
	(tag) =	ssettag s2;
	_ =	strace s9  }
0x27: {  	s1 =	sld [smem:$0x3FA7]  }
0x28: {  	s2 =	sld [smem:$0x3FA8]  }
0x29: {  	s4 =	sld [smem:$0x3FAA]  }
0x2a: {  	p0 =	seq.s32 s5, $0x0;
	s5 =	sld [smem:$0x3FAB]  }
0x2b: {  	s6 =	sld [smem:$0x3FAC]  }
0x2c: {  	s7 =	sld [smem:$0x3FAD]  }
0x2d: {  	s3 =	simm.s32 $0x108;
	s8 =	sld [smem:$0x3FAE]  }
0x2e: {  	s3 =	simm.s32 @!p0 $0x1082;
	s9 =	sld [smem:$0x3FAF]  }
0x2f: {  	lr =	sadd.s32 s0, s3;
	s0 =	sld [smem:$0x3FA6]  }
0x30: {  	s3 =	sld [smem:$0x3FA9]  }
0x31: {  	[smem:$0x3FB2] =	sst s10  }
0x32: {  	s10 =	sld [smem:$0x3FB0];
	_ =	sdelay $0x3  }
0x33: {  	p0 =	seq.s32 s10, $0x1;
	s10 =	sld [smem:$0x3FB2];
	_ =	sdelay $0x3  }
0x34: {  	[smem:$0x3FB2] =	sst s10  }
0x35: {  	s10 =	sld [smem:$0x3FB1];
	_ =	sdelay $0x3  }
0x36: {  	p1 =	seq.s32 s10, $0x1;
	s10 =	sld [smem:$0x3FB2];
	_ =	sdelay $0x3  }
0x37: {  	[smem:$0x3FB2] =	sst s10  }
0x38: {  	s10 =	sld [smem:$0x3FB3]  }
0x39: {  	_ = 	snop;
	(pc) =	sbr.ind lr, $3  }
0x3a: {  	_ = 	snop  }
0x3b: {  	_ = 	snop  }
0x3c: {  	p2 =	seq.s32 s10, $0x1;
	s10 =	sld [smem:$0x3FB2]  }
0x3d: {  	_ =	shalt  }
0x3e: {  	_ =	shalt  }
0x3f: {  	_ =	shalt  }
0x40: {  	_ =	shalt  }
0x41: {  	_ =	shalt  }
0x42: {  	_ =	shalt  }
0x43: {  	_ =	shalt  }
0x44: {  	_ =	shalt  }
0x45: {  	_ =	shalt  }
0x46: {  	_ =	shalt  }
0x47: {  	_ =	shalt  }
0x48: {  	_ =	shalt  }
0x49: {  	_ =	shalt  }
0x4a: {  	_ =	shalt  }
0x4b: {  	_ =	shalt  }
0x4c: {  	_ =	shalt  }
0x4d: {  	_ =	shalt  }
0x4e: {  	_ =	shalt  }
0x4f: {  	_ =	shalt  }
0x50: {  	_ =	shalt  }
0x51: {  	_ =	shalt  }
0x52: {  	_ =	shalt  }
0x53: {  	_ =	shalt  }
0x54: {  	_ =	shalt  }
0x55: {  	_ =	shalt  }
0x56: {  	_ =	shalt  }
0x57: {  	_ =	shalt  }
0x58: {  	_ =	shalt  }
0x59: {  	_ =	shalt  }
0x5a: {  	_ =	shalt  }
0x5b: {  	_ =	shalt  }
0x5c: {  	_ =	shalt  }
0x5d: {  	_ =	shalt  }
0x5e: {  	_ =	shalt  }
0x5f: {  	_ =	shalt  }
0x60: {  	_ =	shalt  }
0x61: {  	_ =	shalt  }
0x62: {  	_ =	shalt  }
0x63: {  	_ =	shalt  }
0x64: {  	_ =	shalt  }
0x65: {  	_ =	shalt  }
0x66: {  	_ =	shalt  }
0x67: {  	_ =	shalt  }
0x68: {  	_ =	shalt  }
0x69: {  	_ =	shalt  }
0x6a: {  	_ =	shalt  }
0x6b: {  	_ =	shalt  }
0x6c: {  	_ =	shalt  }
0x6d: {  	_ =	shalt  }
0x6e: {  	_ =	shalt  }
0x6f: {  	_ =	shalt  }
0x70: {  	_ =	shalt  }
0x71: {  	_ =	shalt  }
0x72: {  	_ =	shalt  }
0x73: {  	_ =	shalt  }
0x74: {  	_ =	shalt  }
0x75: {  	_ =	shalt  }
0x76: {  	_ =	shalt  }
0x77: {  	_ =	shalt  }
0x78: {  	_ =	shalt  }
0x79: {  	_ =	shalt  }
0x7a: {  	_ =	shalt  }
0x7b: {  	_ =	shalt  }
0x7c: {  	_ =	shalt  }
0x7d: {  	_ =	shalt  }
0x7e: {  	_ =	shalt  }
0x7f: {  	_ =	shalt  }
0x80: {  	_ =	shalt  }
0x81: {  	_ =	shalt  }
0x82: {  	_ =	shalt  }
0x83: {  	_ =	shalt  }
0x84: {  	_ =	shalt  }
0x85: {  	_ =	shalt  }
0x86: {  	_ =	shalt  }
0x87: {  	_ =	shalt  }
.Lfunc_end0:
.L_simem_size_0:
called_computation_lowered:
.L_overlay_start_0:
0x88: {  	s2 =	sld [smem:$0x3FD9]  }
0x89: {  	s3 =	sld [smem:$0x3FFE];
	_ =	sdelay $0x1  }
0x8a: {  	s1 =	srdreg.scid  }
0x8b: {  	s0 =	sand.u32 $0x1, s1  }
0x8c: {  	s17 =	sshll.u32 s0, $0xA;
	s2 =	sadd.s32 s3, s2  }
0x8d: {  	s2 =	sadd.s32 s2, s17  }
0x8e: {  	[smem:$0x3FBE] =	sst s2  }
0x8f: {  	_ = 	snop  }
0x90: {  	s2 =	sld [smem:$0x3FC8];
	(tm) =	ssettm $0x1  }
0x91: {  	s18 =	sld [smem:$0x3FFB];
	_ =	sdelay $0x3  }
0x92: {  	_ =	strace s18  }
0x93: {  	s3 =	sld [smem:$0x3FFC];
	_ =	sdelay $0x3  }
0x94: {  	_ =	strace s3  }
0x95: {  	s3 =	sld [smem:$0x3FFD];
	_ =	sdelay $0x3  }
0x96: {  	_ =	strace s3  }
0x97: {  	_ =	strace $0x8FFFFFFF  }
0x98: {  	s19 =	sld [smem:$0x3FDB];
	_ =	sdelay $0x1  }
0x99: {  	s4 =	simm.s32 $_scs_section_size  }
0x9a: {  	s5 =	simm.s32 $_size__tile_overlayer_lowered;
	s6 =	simm.s32 $_tile_overlayer_lowered  }
0x9b: {  	s22 =	simm.s32 $0x1BFF;
	s21 =	sshll.u32 s6, $0x1;
	s3 =	sadd.s32 s4, s19  }
0x9c: {  	s7 =	simm.s32 $0x0;
	s20 =	sshll.u32 s5, $0x1;
	s5 =	sadd.s32 s21, s3  }
0x9d: {  	[timem:s7], [sflag:s22] =	dma.local [hbm:s5], s20  }
0x9e: {  	_ =	swait.ge [sflag:s22], s20  }
0x9f: {  	s4 =	ssub.s32 $0x0, s20;
	[sflag:s22] =	ssyncset.done $0x0  }
0xa0: {  	[sflag:s22] =	ssyncadd.s32 s4;
	_ =	sdelay $0x1  }
0xa1: {  	s23 =	simm.s32 $0x1B8B  }
0xa2: {  	_ =	swait.ge [sflag:s23], $0x1  }
0xa3: {  	[sflag:s23] =	ssyncset.done $0x0  }
0xa4: {  	s25 =	simm.s32 $0x1B8E;
	s24 =	sld [smem:$0x3FFE];
	[sflag:s23] =	ssyncadd.s32 $0xFFFFFFFF  }
0xa5: {  	s26 =	simm.s32 $execute0_lowered;
	[smem:$0x3FD2] =	sst s25  }
0xa6: {  	s5 =	sshll.u32 s26, $0x1;
	_ =	strace $0x80000046;
	[dreg:$0x1] =	wrdreg $0xFFFFFFFF  }
0xa7: {  	s28 =	simm.s32 $_size_execute0_lowered;
	s3 =	sadd.s32 s3, s5;
	[dreg:$0x0] =	wrdreg $0x0  }
0xa8: {  	s5 =	sshll.u32 s28, $0x1;
	[dreg:$0x2] =	wrdreg s3  }
0xa9: {  	[dreg:$0x3] =	wrdreg s5  }
0xaa: {  	[dreg:$0x4] =	wrdreg $0xC0  }
0xab: {  	_ =	task [dreg:s7], $0x5FFFF  }
0xac: {  	[dreg:$0x1] =	wrdreg $0xFFFFFFFF  }
0xad: {  	[dreg:$0x0] =	wrdreg $0x60  }
0xae: {  	[dreg:$0x2] =	wrdreg s24  }
0xaf: {  	[dreg:$0x3] =	wrdreg s2  }
0xb0: {  	[dreg:$0x4] =	wrdreg $0xB5400  }
0xb1: {  	[dreg:$0x5] =	wrdreg $0x9  }
0xb2: {  	_ =	task.clear_ibuf [dreg:s7], $0x6FFFF;
	_ =	strace $0x90000046  }
0xb3: {  	s29 =	simm.s32 $0x9;
	_ =	strace $0x80000048  }
0xb4: {  	_ =	swait.ge [sflag:s29], $0x1  }
0xb5: {  	[sflag:s29] =	ssyncadd.s32 $0xFFFFFFFF  }
0xb6: {  	_ =	strace $0x90000048  }
0xb7: {  	_ =	sfence  }
0xb8: {  	s30 =	sld [smem:$0x0];
	_ =	sdelay $0x2  }
0xb9: {  	s31 =	sshll.u32 s1, $0xD;
	s1 =	sshrl.u32 s1, $0x2  }
0xba: {  	s3 =	sand.u32 $0x4000, s31;
	s1 =	sadd.s32 s1, s30  }
0xbb: {  	s0 =	sor.u32 s3, s0;
	s1 =	sshll.u32 s1, $0x11  }
0xbc: {  	s0 =	sor.u32 s1, s0  }
0xbd: {  	s0 =	sadd.s32 $0x8F2B, s0  }
0xbe: {  	[sflag:s0] =	ssyncadd.remote.s32 $0x1  }
0xbf: {  	_ =	sfence.sel $0xFFFF  }
0xc0: {  	[dreg:$0x0] =	wrdreg $0xFFFFFFFF;
	(pc) =	sbr.abs _section_cstart, $3  }
0xc1: {  	[dreg:$0x1] =	wrdreg $0xFFFFFFFF  }
0xc2: {  	_ =	task.clear_ibuf [dreg:s7], $0x2FFFF;
	_ =	strace $0x9FFFFFFF  }
0xc3: {  	(tm) =	ssettm $0x7FFFFFFF  }
tec
execute0_lowered:
.L_overlay_start_1:
0x0: {  	(tag) =	ssettag $0x1  }
0x1: {  	s5 =	rddreg [dreg:$0x0]  }
0x2: {  	s0 =	srdreg.scid;
	s2 =	rddreg [dreg:$0x1]  }
0x3: {  	s3 =	rddreg [dreg:$0x2];
	s29 =	stileid.u32;
	s4 =	simm.s32 $0x0  }
0x4: {  	s16 =	stileid.u32;
	s17 =	simm.s32 $0x5140;
	s18 =	simm.s32 $0x64  }
0x5: {  	s19 =	simm.s32 $0x8340;
	s20 =	simm.s32 $0x1;
	s21 =	simm.s32 $0x2  }
0x6: {  	s22 =	simm.s32 $0x3;
	s23 =	simm.s32 $0x4;
	s24 =	simm.s32 $0x2838  }
0x7: {  	s25 =	simm.s32 $0x5070;
	s26 =	simm.s32 $0x50D8;
	s28 =	simm.s32 $0x0  }
0x8: {  	s6 =	sand.u32 $0x1, s0;
	[smem:$0x7FF] =	sst s4;
	s9 =	smul.u32 $0x4E000, s29  }
0x9: {  	s12 =	sadd.s32 $0x16C00, s5;
	s10 =	smul.u32 $0x13800, s29;
	p0 =	sne.s32 s29, $0xF  }
0xa: {  	s7 =	sshll.u32 s6, $0x4;
	_ =	strace $0x80000047;
	s8 =	ssub.s32 $0x2, s6  }
0xb: {  	s13 =	smul.u32 $0x138800, s6;
	s7 =	sor.u32 s29, s7;
	s30 =	sshrl.u32 s8, $0x1  }
0xc: {  	s31 =	sshrl.u32 s9, $0x2;
	s7 =	smul.u32 $0x28A0, s7;
	s14 =	ssub.s32 s8, s30  }
0xd: {  	s11 =	sadd.s32 s31, s3;
	s15 =	sadd.s32 s10, s13;
	s13 =	sshrl.u32 s13, $0x3  }
0xe: {  	s8 =	sadd.s32 $0x6400, s11;
	s9 =	sadd.s32 $0xC800, s11;
	s15 =	sshrl.u32 s15, $0x3  }
0xf: {  	s13 =	sadd.s32 s12, s13;
	s14 =	smax.u32 s14, $0x1;
	s7 =	sshrl.u32 s7, $0x3  }
0x10: {  	s12 =	sadd.s32 s12, s15;
	s13 =	sadd.s32 $0x27000, s13;
	s7 =	sadd.s32 s7, s5  }
0x11: {  	s15 =	simm.s32 $0x5;
	s5 =	sadd.s32 $0x2600, s7;
	s6 =	sadd.s32 $0xC880, s7  }
0x12: {  	v0 =	vimm.f32 $0.0e+00;
	s7 =	sadd.s32 s10, s3;
	s10 =	sadd.s32 $0x12C00, s11;
	s11 =	sadd.s32 $0x138000, s3  }
.LBB2_1:
0x13: {  	[tilespmem:s4], [sflag:$0x5] =	stream.linear.gather [hbm4b:s5+s4], $0x28A0, $0x38;
	[tilespmem:$0x1EDC0] =	vst v63  }
0x14: {  	_ =	swait.ge [sflag:s15], $0x28A0  }
0x15: {  	[sflag:s15] =	ssyncset.done $0x0  }
0x16: {  	s0 =	simm.s32 $0x28A0;
	[sflag:s15] =	ssyncadd.s32 $0xFFFFD760  }
0x17: {  	[tilespmem:s0], [sflag:$0x5] =	stream.linear.gather [hbm4b:s6+s4], $0x28A0, $0x38;
	[tilespmem:$0x1EDC0] =	vst v63  }
0x18: {  	_ =	swait.ge [sflag:s15], $0x28A0  }
0x19: {  	[sflag:s15] =	ssyncset.done $0x0  }
0x1a: {  	s29 =	simm.s32 $0x0;
	s30 =	simm.s32 $0x200;
	[sflag:s15] =	ssyncadd.s32 $0xFFFFD760  }
.LBB2_2:
0x1b: {  	p1 =	sne.s32 s30, $0x18E00;
	[tilespmem:s29+$0x51B0] =	vst v0  }
0x1c: {  	[tilespmem:s29+$0x5140] =	vst v0  }
0x1d: {  	[tilespmem:s29+$0x5150] =	vst v0  }
.Ltmp0:
0x1e: {  	[tilespmem:s29+$0x5160] =	vst v0;
	(pc) =	sbr.rel @p1 .LBB2_2-.Ltmp0, $4  }
0x1f: {  	[tilespmem:s29+$0x5170] =	vst v0  }
0x20: {  	[tilespmem:s29+$0x5180] =	vst v0  }
0x21: {  	[tilespmem:s29+$0x5190] =	vst v0  }
0x22: {  	[tilespmem:s29+$0x51A0] =	vst v0;
	s29 =	sshra.s32 s30, $0x2;
	s30 =	sadd.s32 $0x200, s30  }
0x23: {  	[tilespmem:s29+$0x51B0] =	vst v0  }
0x24: {  	[tilespmem:s29+$0x5140] =	vst v0  }
0x25: {  	[tilespmem:s29+$0x5150] =	vst v0  }
0x26: {  	[tilespmem:s29+$0x5160] =	vst v0  }
0x27: {  	[tilespmem:s29+$0x5170] =	vst v0  }
0x28: {  	[tilespmem:s29+$0x5180] =	vst v0  }
0x29: {  	[tilespmem:s29+$0x5190] =	vst v0  }
0x2a: {  	[tilespmem:s29+$0x51A0] =	vst v0  }
0x2b: {  	[spmem:s7] =	stream.linear.scatter [tilespmem:s17], [sflag:$0x5], $0x6400, $0x38;
	[tilespmem:$0x1EDC0] =	vst v63  }
0x2c: {  	_ =	swait.ge [sflag:s15], $0x6400  }
0x2d: {  	[sflag:s15] =	ssyncset.done $0x0  }
0x2e: {  	[sflag:s15] =	ssyncadd.s32 $0xFFFF9C00  }
0x2f: {  	[spmem:s8] =	stream.linear.scatter [tilespmem:s17], [sflag:$0x5], $0x6400, $0x38;
	[tilespmem:$0x1EDC0] =	vst v63  }
0x30: {  	_ =	swait.ge [sflag:s15], $0x6400  }
0x31: {  	[sflag:s15] =	ssyncset.done $0x0  }
0x32: {  	[sflag:s15] =	ssyncadd.s32 $0xFFFF9C00  }
0x33: {  	[spmem:s9] =	stream.linear.scatter [tilespmem:s17], [sflag:$0x5], $0x6400, $0x38;
	[tilespmem:$0x1EDC0] =	vst v63  }
0x34: {  	_ =	swait.ge [sflag:s15], $0x6400  }
0x35: {  	[sflag:s15] =	ssyncset.done $0x0  }
0x36: {  	[sflag:s15] =	ssyncadd.s32 $0xFFFF9C00  }
0x37: {  	[spmem:s10] =	stream.linear.scatter [tilespmem:s17], [sflag:$0x5], $0xC00, $0x38;
	[tilespmem:$0x1EDC0] =	vst v63  }
0x38: {  	_ =	swait.ge [sflag:s15], $0xC00  }
0x39: {  	[sflag:s15] =	ssyncset.done $0x0  }
0x3a: {  	s29 =	simm.s32 @!p0 $0x5140;
	[sflag:s15] =	ssyncadd.s32 $0xFFFFF400  }
0x3b: {  	[spmem:s11] =	stream.linear.scatter @!p0 [tilespmem:s29], [sflag:$0x5], $0x800, $0x38;
	[tilespmem:$0x1EDC0] =	vst v63  }
0x3c: {  	s29 =	simm.s32 @!p0 $0x5  }
0x3d: {  	_ =	swait.ge @!p0 [sflag:s29], $0x800  }
0x3e: {  	[sflag:s29] =	ssyncset.done @!p0 $0x0  }
0x3f: {  	[sflag:s29] =	ssyncadd.s32 @!p0 $0xFFFFF800  }
0x40: {  	s29 =	simm.s32 $0x0;
	[bflag:$0x0] =	sbarrier.arrive $0xFFFF  }
0x41: {  	[tilespmem:s17], [sflag:$0x1] =	stream.indirect.gather [hbm4b:s2+s18], $0x80, s29, s18, $0xb8;
	[tilespmem:$0x1EDC0] =	vst v63  }
0x42: {  	s29 =	simm.s32 $0x68  }
0x43: {  	[tilespmem:s19], [sflag:$0x2] =	stream.indirect.gather [hbm4b:s2+s18], $0x80, s29, s18, $0xb8;
	[tilespmem:$0x1EDC0] =	vst v63  }
0x44: {  	_ =	swait.ge [sflag:s20], $0x3200  }
0x45: {  	[sflag:s20] =	ssyncset.done $0x0  }
0x46: {  	s29 =	simm.s32 $0x28A0;
	[sflag:s20] =	ssyncadd.s32 $0xFFFFCE00  }
0x47: {  	[spmem:s3] =	stream.indirect.scatter.add.f32 [tilespmem:s17], [sflag:$0x3], $0x80, s29, s18, $0xb8;
	[tilespmem:$0x1EDC0] =	vst v63  }
0x48: {  	_ =	swait.ge [sflag:s21], $0x3200  }
0x49: {  	[sflag:s21] =	ssyncset.done $0x0  }
0x4a: {  	s29 =	simm.s32 $0x2908;
	[sflag:s21] =	ssyncadd.s32 $0xFFFFCE00  }
0x4b: {  	[spmem:s3] =	stream.indirect.scatter.add.f32 [tilespmem:s19], [sflag:$0x4], $0x80, s29, s18, $0xb8;
	[tilespmem:$0x1EDC0] =	vst v63  }
0x4c: {  	_ =	swait.ge [sflag:s22], $0x3200  }
0x4d: {  	[sflag:s22] =	ssyncset.done $0x0  }
0x4e: {  	s29 =	simm.s32 $0xD0;
	[sflag:s22] =	ssyncadd.s32 $0xFFFFCE00  }
0x4f: {  	[tilespmem:s17], [sflag:$0x1] =	stream.indirect.gather [hbm4b:s2+s18], $0x80, s29, s18, $0xb8;
	[tilespmem:$0x1EDC0] =	vst v63  }
0x50: {  	_ =	swait.ge [sflag:s23], $0x3200  }
0x51: {  	s30 =	simm.s32 $0x680;
	s29 =	simm.s32 $0xD0;
	[sflag:s23] =	ssyncset.done $0x0  }
.LBB2_4:
0x52: {  	s31 =	sadd.s32 $0x68, s29  }
0x53: {  	[sflag:s23] =	ssyncadd.s32 $0xFFFFCE00;
	s0 =	smov.u32 s30;
	s1 =	sadd.s32 $0x340, s30  }
0x54: {  	[tilespmem:s19], [sflag:$0x2] =	stream.indirect.gather [hbm4b:s2+s18], $0x80, s31, s18, $0xb8;
	[tilespmem:$0x1EDC0] =	vst v63  }
0x55: {  	p1 =	sne.s32 s30, $0x9C00;
	_ =	swait.ge [sflag:s20], $0x3200  }
0x56: {  	[sflag:s20] =	ssyncset.done $0x0  }
0x57: {  	s30 =	sadd.s32 $0x28A0, s29;
	[sflag:s20] =	ssyncadd.s32 $0xFFFFCE00  }
0x58: {  	[spmem:s3] =	stream.indirect.scatter.add.f32 [tilespmem:s17], [sflag:$0x3], $0x80, s30, s18, $0xb8;
	[tilespmem:$0x1EDC0] =	vst v63  }
0x59: {  	_ =	swait.ge [sflag:s21], $0x3200  }
0x5a: {  	[sflag:s21] =	ssyncset.done $0x0  }
0x5b: {  	s30 =	sadd.s32 $0x2908, s29;
	[sflag:s21] =	ssyncadd.s32 $0xFFFFCE00  }
0x5c: {  	[spmem:s3] =	stream.indirect.scatter.add.f32 [tilespmem:s19], [sflag:$0x4], $0x80, s30, s18, $0xb8;
	[tilespmem:$0x1EDC0] =	vst v63  }
0x5d: {  	_ =	swait.ge [sflag:s22], $0x3200  }
.Ltmp1:
0x5e: {  	[sflag:s22] =	ssyncset.done $0x0;
	(pc) =	sbr.rel @p1 .LBB2_4-.Ltmp1, $4  }
0x5f: {  	s29 =	sadd.s32 $0xD0, s29;
	[sflag:s22] =	ssyncadd.s32 $0xFFFFCE00  }
0x60: {  	[tilespmem:s17], [sflag:$0x1] =	stream.indirect.gather [hbm4b:s2+s18], $0x80, s29, s18, $0xb8;
	[tilespmem:$0x1EDC0] =	vst v63  }
0x61: {  	_ =	swait.ge [sflag:s23], $0x3200  }
0x62: {  	s30 =	smov.u32 s1;
	s29 =	sshra.s32 s0, $0x2;
	[sflag:s23] =	ssyncset.done $0x0  }
0x63: {  	s0 =	sadd.s32 $0x68, s29;
	[sflag:s23] =	ssyncadd.s32 $0xFFFFCE00  }
0x64: {  	[tilespmem:s19], [sflag:$0x2] =	stream.indirect.gather [hbm4b:s2+s18], $0x80, s0, s18, $0xb8;
	[tilespmem:$0x1EDC0] =	vst v63  }
0x65: {  	_ =	swait.ge [sflag:s20], $0x3200  }
0x66: {  	[sflag:s20] =	ssyncset.done $0x0  }
0x67: {  	s31 =	sadd.s32 $0x28A0, s29;
	[sflag:s20] =	ssyncadd.s32 $0xFFFFCE00  }
0x68: {  	[spmem:s3] =	stream.indirect.scatter.add.f32 [tilespmem:s17], [sflag:$0x3], $0x80, s31, s18, $0xb8;
	[tilespmem:$0x1EDC0] =	vst v63  }
0x69: {  	_ =	swait.ge [sflag:s21], $0x3200  }
0x6a: {  	[sflag:s21] =	ssyncset.done $0x0  }
0x6b: {  	s1 =	sadd.s32 $0x2908, s29;
	[sflag:s21] =	ssyncadd.s32 $0xFFFFCE00  }
0x6c: {  	[spmem:s3] =	stream.indirect.scatter.add.f32 [tilespmem:s19], [sflag:$0x4], $0x80, s1, s18, $0xb8;
	[tilespmem:$0x1EDC0] =	vst v63  }
0x6d: {  	_ =	swait.ge [sflag:s22], $0x3200  }
0x6e: {  	[sflag:s22] =	ssyncset.done $0x0  }
0x6f: {  	s30 =	sadd.s32 $0xD0, s29;
	[sflag:s22] =	ssyncadd.s32 $0xFFFFCE00  }
0x70: {  	[tilespmem:s17], [sflag:$0x1] =	stream.indirect.gather [hbm4b:s2+s18], $0x80, s30, s18, $0xb8;
	[tilespmem:$0x1EDC0] =	vst v63  }
0x71: {  	_ =	swait.ge [sflag:s23], $0x3200  }
0x72: {  	[sflag:s23] =	ssyncset.done $0x0  }
0x73: {  	[sflag:s23] =	ssyncadd.s32 $0xFFFFCE00  }
0x74: {  	[tilespmem:s19], [sflag:$0x2] =	stream.indirect.gather [hbm4b:s2+s18], $0x80, s24, s18, $0xb8;
	[tilespmem:$0x1EDC0] =	vst v63  }
0x75: {  	_ =	swait.ge [sflag:s20], $0x3200  }
0x76: {  	[sflag:s20] =	ssyncset.done $0x0  }
0x77: {  	[sflag:s20] =	ssyncadd.s32 $0xFFFFCE00  }
0x78: {  	[spmem:s3] =	stream.indirect.scatter.add.f32 [tilespmem:s17], [sflag:$0x3], $0x80, s25, s18, $0xb8;
	[tilespmem:$0x1EDC0] =	vst v63  }
0x79: {  	_ =	swait.ge [sflag:s21], $0x3200  }
0x7a: {  	[sflag:s21] =	ssyncset.done $0x0  }
0x7b: {  	[sflag:s21] =	ssyncadd.s32 $0xFFFFCE00  }
0x7c: {  	[spmem:s3] =	stream.indirect.scatter.add.f32 [tilespmem:s19], [sflag:$0x4], $0x80, s26, s18, $0xb8;
	[tilespmem:$0x1EDC0] =	vst v63  }
0x7d: {  	_ =	swait.ge [sflag:s22], $0x3200  }
0x7e: {  	[sflag:s22] =	ssyncset.done $0x0  }
0x7f: {  	[sflag:s22] =	ssyncadd.s32 $0xFFFFCE00  }
0x80: {  	_ =	swait.ge [sflag:s23], $0x3200  }
0x81: {  	[sflag:s23] =	ssyncset.done $0x0  }
0x82: {  	s31 =	sshll.u32 s16, $0x6;
	[sflag:s23] =	ssyncadd.s32 $0xFFFFCE00  }
0x83: {  	s0 =	sor.u32 $0x1C05, s31;
	s1 =	sshrl.u32 s7, $0x3;
	[bflag:$0x0] =	sbarrier.arrive $0xFFFF  }
0x84: {  	[hbm:s12], [sflag:s0] =	dma.local [spmem:s1], $0x2700  }
0x85: {  	_ =	swait.ge [sflag:s15], $0x2700  }
0x86: {  	s28 =	sadd.s32 $0x1, s28;
	[sflag:s15] =	ssyncset.done $0x0  }
0x87: {  	p1 =	sne.s32 s28, s14;
	s1 =	sshrl.u32 @!p0 s11, $0x3;
	[sflag:s15] =	ssyncadd.s32 $0xFFFFD900  }
0x88: {  	[hbm:s13], [sflag:s0] =	dma.local @!p0 [spmem:s1], $0x100  }
.Ltmp2:
0x89: {  	_ = 	snop;
	(pc) =	sbr.rel @p1 .LBB2_1-.Ltmp2, $4  }
0x8a: {  	s0 =	simm.s32 @!p0 $0x5  }
0x8b: {  	_ =	swait.ge @!p0 [sflag:s0], $0x100  }
0x8c: {  	[sflag:s0] =	ssyncset.done @!p0 $0x0  }
0x8d: {  	[sflag:s0] =	ssyncadd.s32 @!p0 $0xFFFFFF00  }
0x8e: {  	_ =	sfence.sel $0x180000  }
0x8f: {  	[bflag:$0x0] =	sbarrier.arrive $0xFFFF  }
0x90: {  	_ =	strace $0x90000047  }
0x91: {  	[bflag:$0x2] =	sbarrier.arrive $0xFFFF  }
0x92: {  	p0 =	sne.s32 s16, $0x0;
	s0 =	rddreg [dreg:$0x3]  }
0x93: {  	s0 =	sadd.s32 @!p0 $0x100000, s0  }
0x94: {  	[sflag:s0] =	ssyncadd.tile.s32 @!p0 $0x1;
	_ =	shalt  }
.Lfunc_end2:
_tile_overlayer_lowered:
.L_overlay_start_2:
0x95: {  	(tag) =	ssettag $0x2  }
0x96: {  	s0 =	rddreg [dreg:$0x0];
	s2 =	stileid.u32  }
0x97: {  	s1 =	rddreg [dreg:$0x1];
	p0 =	sne.s32 s2, $0x0  }
0x98: {  	s3 =	rddreg [dreg:$0x2];
	[bflag:$0x3] =	sbarrier.arrive $0xFFFF;
	s2 =	simm.s32 @!p0 $0x1C05  }
0x99: {  	[timem:s3], [sflag:s2] =	dma.local @!p0 [hbm:s0], s1  }
0x9a: {  	s0 =	simm.s32 @!p0 $0x5  }
0x9b: {  	_ =	swait.ge @!p0 [sflag:s0], s1  }
0x9c: {  	s1 =	ssub.s32 @!p0 $0x0, s1;
	[sflag:s0] =	ssyncset.done @!p0 $0x0  }
0x9d: {  	[sflag:s0] =	ssyncadd.s32 @!p0 s1  }
0x9e: {  	[bflag:$0x3] =	sbarrier.arrive $0xFFFF  }
0x9f: {  	_ =	shalt  }

// kernel: kernel.9.cloned.1.call-start
scs
__scs_entry_jumppad:
0x0: {  	(pc) =	sbr.rel $0x88, $3  }
0x1: {  	(tag) =	ssettag $0x0;
	lr =	simm.s32 $0x1  }
0x2: {  	[smem:$0x3F97] =	sst lr;
	_ =	strace $0xD0000000  }
0x3: {  	_ = 	snop  }
0x4: {  	_ = 	snop  }
0x5: {  	_ = 	snop  }
0x6: {  	_ = 	snop  }
0x7: {  	_ = 	snop  }
__scs_overlays_trampoline_lowered:
0x8: {  	[smem:$0x3FA6] =	sst s0  }
0x9: {  	[smem:$0x3FA7] =	sst s1  }
0xa: {  	[smem:$0x3FA8] =	sst s2  }
0xb: {  	[smem:$0x3FA9] =	sst s3  }
0xc: {  	[smem:$0x3FAA] =	sst s4  }
0xd: {  	[smem:$0x3FAB] =	sst s5  }
0xe: {  	[smem:$0x3FAC] =	sst s6  }
0xf: {  	[smem:$0x3FAD] =	sst s7  }
0x10: {  	[smem:$0x3FAE] =	sst s8  }
0x11: {  	[smem:$0x3FAF] =	sst s9;
	s0 =	simm.s32 @!p0 $0x0  }
0x12: {  	s1 =	sld [smem:$0x3F95];
	s0 =	simm.s32 @p0 $0x1  }
0x13: {  	[smem:$0x3FB0] =	sst s0;
	s0 =	simm.s32 @!p1 $0x0  }
0x14: {  	s2 =	sld [smem:$0x3F94];
	s0 =	simm.s32 @p1 $0x1  }
0x15: {  	[smem:$0x3FB1] =	sst s0;
	s0 =	simm.s32 @!p2 $0x0  }
0x16: {  	s3 =	sld [smem:$0x3FDB];
	s0 =	simm.s32 @p2 $0x1  }
0x17: {  	s4 =	simm.s32 $0x1BF5;
	[smem:$0x3FB3] =	sst s0  }
0x18: {  	s0 =	sld [smem:$0x3F96];
	_ =	swait.ge [sflag:s4], $0x0  }
0x19: {  	s7 =	sld [smem:$0x3F97]  }
0x1a: {  	s8 =	sadd.s32 $0xFFFFE003, lr  }
0x1b: {  	s9 =	sadd.s32 $0xFFFFFEF7, lr;
	s5 =	simm.s32 $0xFFFFFFFF;
	p2 =	slt.u32 s8, $0xFFFFF086  }
0x1c: {  	p1 =	slt.u32 s9, $0xF7A;
	s5 =	simm.s32 @!p2 $0x0  }
0x1d: {  	s5 =	simm.s32 @p1 $0x1;
	p0 =	seq.s32 s7, s2  }
0x1e: {  	s7 =	smul.u32 @!p0 $0xF7A, s2;
	p2 =	seq.s32 @!p0 s5, $0x0  }
0x1f: {  	s9 =	smul.u32 $0xF7A, s1;
	s8 =	simm.s32 @!p0 $0x1BF5;
	p2 =	por !p2, p0  }
0x20: {  	[sflag:s8] =	ssyncset.s32 @!p0 $0xFFFFF086;
	s6 =	sadd.s32 @!p0 s3, s7;
	s7 =	simm.s32 @!p0 $0x108  }
0x21: {  	s3 =	sadd.s32 s3, s9;
	s6 =	sadd.s32 @!p0 $0x88, s6;
	s7 =	simm.s32 @p2 $0x1082  }
0x22: {  	[simem:s7], [sflag:s8] =	dma.local @!p0 [hbm:s6], $0xF7A  }
0x23: {  	s9 =	sor.u32 $0xD0000000, s2;
	s6 =	simm.s32 $0x108;
	_ =	swait.ge @!p0 [sflag:s8], $0x0  }
0x24: {  	s3 =	sadd.s32 $0x88, s3;
	s6 =	simm.s32 @!p1 $0x1082;
	[sflag:s4] =	ssyncset.s32 $0xFFFFF086  }
0x25: {  	[simem:s6], [sflag:s4] =	dma.local [hbm:s3], $0xF7A  }
0x26: {  	[smem:$0x3F97] =	sst s1;
	(tag) =	ssettag s2;
	_ =	strace s9  }
0x27: {  	s1 =	sld [smem:$0x3FA7]  }
0x28: {  	s2 =	sld [smem:$0x3FA8]  }
0x29: {  	s4 =	sld [smem:$0x3FAA]  }
0x2a: {  	p0 =	seq.s32 s5, $0x0;
	s5 =	sld [smem:$0x3FAB]  }
0x2b: {  	s6 =	sld [smem:$0x3FAC]  }
0x2c: {  	s7 =	sld [smem:$0x3FAD]  }
0x2d: {  	s3 =	simm.s32 $0x108;
	s8 =	sld [smem:$0x3FAE]  }
0x2e: {  	s3 =	simm.s32 @!p0 $0x1082;
	s9 =	sld [smem:$0x3FAF]  }
0x2f: {  	lr =	sadd.s32 s0, s3;
	s0 =	sld [smem:$0x3FA6]  }
0x30: {  	s3 =	sld [smem:$0x3FA9]  }
0x31: {  	[smem:$0x3FB2] =	sst s10  }
0x32: {  	s10 =	sld [smem:$0x3FB0];
	_ =	sdelay $0x3  }
0x33: {  	p0 =	seq.s32 s10, $0x1;
	s10 =	sld [smem:$0x3FB2];
	_ =	sdelay $0x3  }
0x34: {  	[smem:$0x3FB2] =	sst s10  }
0x35: {  	s10 =	sld [smem:$0x3FB1];
	_ =	sdelay $0x3  }
0x36: {  	p1 =	seq.s32 s10, $0x1;
	s10 =	sld [smem:$0x3FB2];
	_ =	sdelay $0x3  }
0x37: {  	[smem:$0x3FB2] =	sst s10  }
0x38: {  	s10 =	sld [smem:$0x3FB3]  }
0x39: {  	_ = 	snop;
	(pc) =	sbr.ind lr, $3  }
0x3a: {  	_ = 	snop  }
0x3b: {  	_ = 	snop  }
0x3c: {  	p2 =	seq.s32 s10, $0x1;
	s10 =	sld [smem:$0x3FB2]  }
0x3d: {  	_ =	shalt  }
0x3e: {  	_ =	shalt  }
0x3f: {  	_ =	shalt  }
0x40: {  	_ =	shalt  }
0x41: {  	_ =	shalt  }
0x42: {  	_ =	shalt  }
0x43: {  	_ =	shalt  }
0x44: {  	_ =	shalt  }
0x45: {  	_ =	shalt  }
0x46: {  	_ =	shalt  }
0x47: {  	_ =	shalt  }
0x48: {  	_ =	shalt  }
0x49: {  	_ =	shalt  }
0x4a: {  	_ =	shalt  }
0x4b: {  	_ =	shalt  }
0x4c: {  	_ =	shalt  }
0x4d: {  	_ =	shalt  }
0x4e: {  	_ =	shalt  }
0x4f: {  	_ =	shalt  }
0x50: {  	_ =	shalt  }
0x51: {  	_ =	shalt  }
0x52: {  	_ =	shalt  }
0x53: {  	_ =	shalt  }
0x54: {  	_ =	shalt  }
0x55: {  	_ =	shalt  }
0x56: {  	_ =	shalt  }
0x57: {  	_ =	shalt  }
0x58: {  	_ =	shalt  }
0x59: {  	_ =	shalt  }
0x5a: {  	_ =	shalt  }
0x5b: {  	_ =	shalt  }
0x5c: {  	_ =	shalt  }
0x5d: {  	_ =	shalt  }
0x5e: {  	_ =	shalt  }
0x5f: {  	_ =	shalt  }
0x60: {  	_ =	shalt  }
0x61: {  	_ =	shalt  }
0x62: {  	_ =	shalt  }
0x63: {  	_ =	shalt  }
0x64: {  	_ =	shalt  }
0x65: {  	_ =	shalt  }
0x66: {  	_ =	shalt  }
0x67: {  	_ =	shalt  }
0x68: {  	_ =	shalt  }
0x69: {  	_ =	shalt  }
0x6a: {  	_ =	shalt  }
0x6b: {  	_ =	shalt  }
0x6c: {  	_ =	shalt  }
0x6d: {  	_ =	shalt  }
0x6e: {  	_ =	shalt  }
0x6f: {  	_ =	shalt  }
0x70: {  	_ =	shalt  }
0x71: {  	_ =	shalt  }
0x72: {  	_ =	shalt  }
0x73: {  	_ =	shalt  }
0x74: {  	_ =	shalt  }
0x75: {  	_ =	shalt  }
0x76: {  	_ =	shalt  }
0x77: {  	_ =	shalt  }
0x78: {  	_ =	shalt  }
0x79: {  	_ =	shalt  }
0x7a: {  	_ =	shalt  }
0x7b: {  	_ =	shalt  }
0x7c: {  	_ =	shalt  }
0x7d: {  	_ =	shalt  }
0x7e: {  	_ =	shalt  }
0x7f: {  	_ =	shalt  }
0x80: {  	_ =	shalt  }
0x81: {  	_ =	shalt  }
0x82: {  	_ =	shalt  }
0x83: {  	_ =	shalt  }
0x84: {  	_ =	shalt  }
0x85: {  	_ =	shalt  }
0x86: {  	_ =	shalt  }
0x87: {  	_ =	shalt  }
.Lfunc_end0:
.L_simem_size_0:
called_computation.1_lowered:
.L_overlay_start_0:
0x88: {  	s2 =	sld [smem:$0x3FD9]  }
0x89: {  	s3 =	sld [smem:$0x3FFE];
	_ =	sdelay $0x1  }
0x8a: {  	s1 =	srdreg.scid  }
0x8b: {  	s0 =	sand.u32 $0x1, s1  }
0x8c: {  	s16 =	sshll.u32 s0, $0xA;
	s2 =	sadd.s32 s3, s2  }
0x8d: {  	s2 =	sadd.s32 s2, s16  }
0x8e: {  	[smem:$0x3FBE] =	sst s2  }
0x8f: {  	_ = 	snop  }
0x90: {  	(tm) =	ssettm $0x1  }
0x91: {  	s17 =	sld [smem:$0x3FFB];
	_ =	sdelay $0x3  }
0x92: {  	_ =	strace s17  }
0x93: {  	s2 =	sld [smem:$0x3FFC];
	_ =	sdelay $0x3  }
0x94: {  	_ =	strace s2  }
0x95: {  	s2 =	sld [smem:$0x3FFD];
	_ =	sdelay $0x3  }
0x96: {  	_ =	strace s2  }
0x97: {  	_ =	strace $0x8FFFFFFF  }
0x98: {  	s18 =	sld [smem:$0x3FDB];
	_ =	sdelay $0x1  }
0x99: {  	s19 =	simm.s32 $_scs_section_size  }
0x9a: {  	s4 =	simm.s32 $_size__tile_overlayer_lowered;
	s5 =	simm.s32 $_tile_overlayer_lowered  }
0x9b: {  	s22 =	simm.s32 $0x1BFF;
	s21 =	sshll.u32 s5, $0x1;
	s2 =	sadd.s32 s19, s18  }
0x9c: {  	s6 =	simm.s32 $0x0;
	s20 =	sshll.u32 s4, $0x1;
	s4 =	sadd.s32 s21, s2  }
0x9d: {  	[timem:s6], [sflag:s22] =	dma.local [hbm:s4], s20  }
0x9e: {  	_ =	swait.ge [sflag:s22], s20  }
0x9f: {  	s3 =	ssub.s32 $0x0, s20;
	[sflag:s22] =	ssyncset.done $0x0  }
0xa0: {  	[sflag:s22] =	ssyncadd.s32 s3;
	_ =	sdelay $0x1  }
0xa1: {  	s23 =	simm.s32 $0x1B8B  }
0xa2: {  	_ =	swait.ge [sflag:s23], $0x1  }
0xa3: {  	[sflag:s23] =	ssyncset.done $0x0  }
0xa4: {  	s25 =	simm.s32 $0x1B8E;
	s24 =	sld [smem:$0x3FFE];
	[sflag:s23] =	ssyncadd.s32 $0xFFFFFFFF  }
0xa5: {  	s26 =	simm.s32 $execute0_lowered;
	[smem:$0x3FD2] =	sst s25  }
0xa6: {  	s4 =	sshll.u32 s26, $0x1;
	_ =	strace $0x80000049;
	[dreg:$0x1] =	wrdreg $0xFFFFFFFF  }
0xa7: {  	s28 =	simm.s32 $_size_execute0_lowered;
	s2 =	sadd.s32 s2, s4;
	[dreg:$0x0] =	wrdreg $0x0  }
0xa8: {  	s4 =	sshll.u32 s28, $0x1;
	[dreg:$0x2] =	wrdreg s2  }
0xa9: {  	[dreg:$0x3] =	wrdreg s4  }
0xaa: {  	[dreg:$0x4] =	wrdreg $0xC0  }
0xab: {  	_ =	task [dreg:s6], $0x5FFFF  }
0xac: {  	[dreg:$0x1] =	wrdreg $0xFFFFFFFF  }
0xad: {  	[dreg:$0x0] =	wrdreg $0x60  }
0xae: {  	[dreg:$0x2] =	wrdreg s24  }
0xaf: {  	[dreg:$0x3] =	wrdreg $0xB5400  }
0xb0: {  	[dreg:$0x4] =	wrdreg $0x9  }
0xb1: {  	_ =	task.clear_ibuf [dreg:s6], $0x5FFFF;
	_ =	strace $0x90000049  }
0xb2: {  	s29 =	simm.s32 $0x9;
	_ =	strace $0x8000004B  }
0xb3: {  	_ =	swait.ge [sflag:s29], $0x1  }
0xb4: {  	[sflag:s29] =	ssyncadd.s32 $0xFFFFFFFF  }
0xb5: {  	_ =	strace $0x9000004B  }
0xb6: {  	_ =	sfence  }
0xb7: {  	s30 =	sld [smem:$0x0];
	_ =	sdelay $0x2  }
0xb8: {  	s31 =	sshll.u32 s1, $0xD;
	s1 =	sshrl.u32 s1, $0x2  }
0xb9: {  	s3 =	sand.u32 $0x4000, s31;
	s1 =	sadd.s32 s1, s30  }
0xba: {  	s0 =	sor.u32 s3, s0;
	s1 =	sshll.u32 s1, $0x11  }
0xbb: {  	s0 =	sor.u32 s1, s0  }
0xbc: {  	s0 =	sadd.s32 $0x8F2B, s0  }
0xbd: {  	[sflag:s0] =	ssyncadd.remote.s32 $0x1  }
0xbe: {  	_ =	sfence.sel $0xFFFF  }
0xbf: {  	[dreg:$0x0] =	wrdreg $0xFFFFFFFF;
	(pc) =	sbr.abs _section_cstart, $3  }
0xc0: {  	[dreg:$0x1] =	wrdreg $0xFFFFFFFF  }
0xc1: {  	_ =	task.clear_ibuf [dreg:s6], $0x2FFFF;
	_ =	strace $0x9FFFFFFF  }
0xc2: {  	(tm) =	ssettm $0x7FFFFFFF  }
0xc3: {  	_ =	shalt  }
tec
execute0_lowered:
.L_overlay_start_1:
0x0: {  	(tag) =	ssettag $0x1  }
0x1: {  	s0 =	srdreg.scid  }
0x2: {  	s5 =	rddreg [dreg:$0x0];
	s29 =	stileid.u32  }
0x3: {  	s2 =	rddreg [dreg:$0x1];
	s3 =	simm.s32 $0x0;
	s16 =	stileid.u32  }
0x4: {  	s17 =	simm.s32 $0x5140;
	s18 =	simm.s32 $0x64;
	s19 =	simm.s32 $0x8340  }
0x5: {  	s20 =	simm.s32 $0x1;
	s21 =	simm.s32 $0x2;
	s22 =	simm.s32 $0x3  }
0x6: {  	s23 =	simm.s32 $0x4;
	s24 =	simm.s32 $0x2838;
	s25 =	simm.s32 $0x5070  }
0x7: {  	s26 =	simm.s32 $0x50D8;
	s28 =	simm.s32 $0x0;
	s6 =	sand.u32 $0x1, s0  }
0x8: {  	[smem:$0x7FF] =	sst s3;
	s9 =	smul.u32 $0x4E000, s29;
	s12 =	sadd.s32 $0x3DE00, s5  }
0x9: {  	s10 =	smul.u32 $0x13800, s29;
	p0 =	sne.s32 s29, $0xF;
	s1 =	sshll.u32 s6, $0x4  }
0xa: {  	_ =	strace $0x8000004A;
	s8 =	ssub.s32 $0x2, s6;
	s13 =	smul.u32 $0x138800, s6  }
0xb: {  	s4 =	sor.u32 s29, s1;
	s30 =	sshrl.u32 s8, $0x1;
	s31 =	sshrl.u32 s9, $0x2  }
0xc: {  	s4 =	smul.u32 $0x28A0, s4;
	s14 =	ssub.s32 s8, s30;
	s11 =	sadd.s32 s31, s2  }
0xd: {  	s15 =	sadd.s32 s10, s13;
	s13 =	sshrl.u32 s13, $0x3;
	s8 =	sadd.s32 $0x6400, s11  }
0xe: {  	s9 =	sadd.s32 $0xC800, s11;
	s15 =	sshrl.u32 s15, $0x3;
	s13 =	sadd.s32 s12, s13  }
0xf: {  	s14 =	smax.u32 s14, $0x1;
	s4 =	sshrl.u32 s4, $0x3;
	s12 =	sadd.s32 s12, s15  }
0x10: {  	s13 =	sadd.s32 $0x27000, s13;
	s15 =	simm.s32 $0x5;
	s7 =	sadd.s32 s4, s5  }
0x11: {  	s4 =	sadd.s32 $0x16C00, s5;
	s5 =	sadd.s32 $0x2600, s7;
	s6 =	sadd.s32 $0xC880, s7  }
0x12: {  	v0 =	vimm.f32 $0.0e+00;
	s7 =	sadd.s32 s10, s2;
	s10 =	sadd.s32 $0x12C00, s11;
	s11 =	sadd.s32 $0x138000, s2  }
.LBB2_1:
0x13: {  	[tilespmem:s3], [sflag:$0x5] =	stream.linear.gather [hbm4b:s5+s3], $0x28A0, $0x38;
	[tilespmem:$0x1EDC0] =	vst v63  }
0x14: {  	_ =	swait.ge [sflag:s15], $0x28A0  }
0x15: {  	[sflag:s15] =	ssyncset.done $0x0  }
0x16: {  	s0 =	simm.s32 $0x28A0;
	[sflag:s15] =	ssyncadd.s32 $0xFFFFD760  }
0x17: {  	[tilespmem:s0], [sflag:$0x5] =	stream.linear.gather [hbm4b:s6+s3], $0x28A0, $0x38;
	[tilespmem:$0x1EDC0] =	vst v63  }
0x18: {  	_ =	swait.ge [sflag:s15], $0x28A0  }
0x19: {  	[sflag:s15] =	ssyncset.done $0x0  }
0x1a: {  	s29 =	simm.s32 $0x0;
	s30 =	simm.s32 $0x200;
	[sflag:s15] =	ssyncadd.s32 $0xFFFFD760  }
.LBB2_2:
0x1b: {  	p1 =	sne.s32 s30, $0x18E00;
	[tilespmem:s29+$0x51B0] =	vst v0  }
0x1c: {  	[tilespmem:s29+$0x5140] =	vst v0  }
0x1d: {  	[tilespmem:s29+$0x5150] =	vst v0  }
.Ltmp0:
0x1e: {  	[tilespmem:s29+$0x5160] =	vst v0;
	(pc) =	sbr.rel @p1 .LBB2_2-.Ltmp0, $4  }
0x1f: {  	[tilespmem:s29+$0x5170] =	vst v0  }
0x20: {  	[tilespmem:s29+$0x5180] =	vst v0  }
0x21: {  	[tilespmem:s29+$0x5190] =	vst v0  }
0x22: {  	[tilespmem:s29+$0x51A0] =	vst v0;
	s29 =	sshra.s32 s30, $0x2;
	s30 =	sadd.s32 $0x200, s30  }
0x23: {  	[tilespmem:s29+$0x51B0] =	vst v0  }
0x24: {  	[tilespmem:s29+$0x5140] =	vst v0  }
0x25: {  	[tilespmem:s29+$0x5150] =	vst v0  }
0x26: {  	[tilespmem:s29+$0x5160] =	vst v0  }
0x27: {  	[tilespmem:s29+$0x5170] =	vst v0  }
0x28: {  	[tilespmem:s29+$0x5180] =	vst v0  }
0x29: {  	[tilespmem:s29+$0x5190] =	vst v0  }
0x2a: {  	[tilespmem:s29+$0x51A0] =	vst v0  }
0x2b: {  	[spmem:s7] =	stream.linear.scatter [tilespmem:s17], [sflag:$0x5], $0x6400, $0x38;
	[tilespmem:$0x1EDC0] =	vst v63  }
0x2c: {  	_ =	swait.ge [sflag:s15], $0x6400  }
0x2d: {  	[sflag:s15] =	ssyncset.done $0x0  }
0x2e: {  	[sflag:s15] =	ssyncadd.s32 $0xFFFF9C00  }
0x2f: {  	[spmem:s8] =	stream.linear.scatter [tilespmem:s17], [sflag:$0x5], $0x6400, $0x38;
	[tilespmem:$0x1EDC0] =	vst v63  }
0x30: {  	_ =	swait.ge [sflag:s15], $0x6400  }
0x31: {  	[sflag:s15] =	ssyncset.done $0x0  }
0x32: {  	[sflag:s15] =	ssyncadd.s32 $0xFFFF9C00  }
0x33: {  	[spmem:s9] =	stream.linear.scatter [tilespmem:s17], [sflag:$0x5], $0x6400, $0x38;
	[tilespmem:$0x1EDC0] =	vst v63  }
0x34: {  	_ =	swait.ge [sflag:s15], $0x6400  }
0x35: {  	[sflag:s15] =	ssyncset.done $0x0  }
0x36: {  	[sflag:s15] =	ssyncadd.s32 $0xFFFF9C00  }
0x37: {  	[spmem:s10] =	stream.linear.scatter [tilespmem:s17], [sflag:$0x5], $0xC00, $0x38;
	[tilespmem:$0x1EDC0] =	vst v63  }
0x38: {  	_ =	swait.ge [sflag:s15], $0xC00  }
0x39: {  	[sflag:s15] =	ssyncset.done $0x0  }
0x3a: {  	s29 =	simm.s32 @!p0 $0x5140;
	[sflag:s15] =	ssyncadd.s32 $0xFFFFF400  }
0x3b: {  	[spmem:s11] =	stream.linear.scatter @!p0 [tilespmem:s29], [sflag:$0x5], $0x800, $0x38;
	[tilespmem:$0x1EDC0] =	vst v63  }
0x3c: {  	s29 =	simm.s32 @!p0 $0x5  }
0x3d: {  	_ =	swait.ge @!p0 [sflag:s29], $0x800  }
0x3e: {  	[sflag:s29] =	ssyncset.done @!p0 $0x0  }
0x3f: {  	[sflag:s29] =	ssyncadd.s32 @!p0 $0xFFFFF800  }
0x40: {  	s29 =	simm.s32 $0x0;
	[bflag:$0x0] =	sbarrier.arrive $0xFFFF  }
0x41: {  	[tilespmem:s17], [sflag:$0x1] =	stream.indirect.gather [hbm4b:s4+s18], $0x80, s29, s18, $0xb8;
	[tilespmem:$0x1EDC0] =	vst v63  }
0x42: {  	s29 =	simm.s32 $0x68  }
0x43: {  	[tilespmem:s19], [sflag:$0x2] =	stream.indirect.gather [hbm4b:s4+s18], $0x80, s29, s18, $0xb8;
	[tilespmem:$0x1EDC0] =	vst v63  }
0x44: {  	_ =	swait.ge [sflag:s20], $0x3200  }
0x45: {  	[sflag:s20] =	ssyncset.done $0x0  }
0x46: {  	s29 =	simm.s32 $0x28A0;
	[sflag:s20] =	ssyncadd.s32 $0xFFFFCE00  }
0x47: {  	[spmem:s2] =	stream.indirect.scatter.add.f32 [tilespmem:s17], [sflag:$0x3], $0x80, s29, s18, $0xb8;
	[tilespmem:$0x1EDC0] =	vst v63  }
0x48: {  	_ =	swait.ge [sflag:s21], $0x3200  }
0x49: {  	[sflag:s21] =	ssyncset.done $0x0  }
0x4a: {  	s29 =	simm.s32 $0x2908;
	[sflag:s21] =	ssyncadd.s32 $0xFFFFCE00  }
0x4b: {  	[spmem:s2] =	stream.indirect.scatter.add.f32 [tilespmem:s19], [sflag:$0x4], $0x80, s29, s18, $0xb8;
	[tilespmem:$0x1EDC0] =	vst v63  }
0x4c: {  	_ =	swait.ge [sflag:s22], $0x3200  }
0x4d: {  	[sflag:s22] =	ssyncset.done $0x0  }
0x4e: {  	s29 =	simm.s32 $0xD0;
	[sflag:s22] =	ssyncadd.s32 $0xFFFFCE00  }
0x4f: {  	[tilespmem:s17], [sflag:$0x1] =	stream.indirect.gather [hbm4b:s4+s18], $0x80, s29, s18, $0xb8;
	[tilespmem:$0x1EDC0] =	vst v63  }
0x50: {  	_ =	swait.ge [sflag:s23], $0x3200  }
0x51: {  	s30 =	simm.s32 $0x680;
	s29 =	simm.s32 $0xD0;
	[sflag:s23] =	ssyncset.done $0x0  }
.LBB2_4:
0x52: {  	s31 =	sadd.s32 $0x68, s29  }
0x53: {  	[sflag:s23] =	ssyncadd.s32 $0xFFFFCE00;
	s1 =	smov.u32 s30;
	s0 =	sadd.s32 $0x340, s30  }
0x54: {  	[tilespmem:s19], [sflag:$0x2] =	stream.indirect.gather [hbm4b:s4+s18], $0x80, s31, s18, $0xb8;
	[tilespmem:$0x1EDC0] =	vst v63  }
0x55: {  	p1 =	sne.s32 s30, $0x9C00;
	_ =	swait.ge [sflag:s20], $0x3200  }
0x56: {  	[sflag:s20] =	ssyncset.done $0x0  }
0x57: {  	s30 =	sadd.s32 $0x28A0, s29;
	[sflag:s20] =	ssyncadd.s32 $0xFFFFCE00  }
0x58: {  	[spmem:s2] =	stream.indirect.scatter.add.f32 [tilespmem:s17], [sflag:$0x3], $0x80, s30, s18, $0xb8;
	[tilespmem:$0x1EDC0] =	vst v63  }
0x59: {  	_ =	swait.ge [sflag:s21], $0x3200  }
0x5a: {  	[sflag:s21] =	ssyncset.done $0x0  }
0x5b: {  	s30 =	sadd.s32 $0x2908, s29;
	[sflag:s21] =	ssyncadd.s32 $0xFFFFCE00  }
0x5c: {  	[spmem:s2] =	stream.indirect.scatter.add.f32 [tilespmem:s19], [sflag:$0x4], $0x80, s30, s18, $0xb8;
	[tilespmem:$0x1EDC0] =	vst v63  }
0x5d: {  	_ =	swait.ge [sflag:s22], $0x3200  }
.Ltmp1:
0x5e: {  	[sflag:s22] =	ssyncset.done $0x0;
	(pc) =	sbr.rel @p1 .LBB2_4-.Ltmp1, $4  }
0x5f: {  	s29 =	sadd.s32 $0xD0, s29;
	[sflag:s22] =	ssyncadd.s32 $0xFFFFCE00  }
0x60: {  	[tilespmem:s17], [sflag:$0x1] =	stream.indirect.gather [hbm4b:s4+s18], $0x80, s29, s18, $0xb8;
	[tilespmem:$0x1EDC0] =	vst v63  }
0x61: {  	_ =	swait.ge [sflag:s23], $0x3200  }
0x62: {  	s30 =	smov.u32 s0;
	s29 =	sshra.s32 s1, $0x2;
	[sflag:s23] =	ssyncset.done $0x0  }
0x63: {  	s0 =	sadd.s32 $0x68, s29;
	[sflag:s23] =	ssyncadd.s32 $0xFFFFCE00  }
0x64: {  	[tilespmem:s19], [sflag:$0x2] =	stream.indirect.gather [hbm4b:s4+s18], $0x80, s0, s18, $0xb8;
	[tilespmem:$0x1EDC0] =	vst v63  }
0x65: {  	_ =	swait.ge [sflag:s20], $0x3200  }
0x66: {  	[sflag:s20] =	ssyncset.done $0x0  }
0x67: {  	s31 =	sadd.s32 $0x28A0, s29;
	[sflag:s20] =	ssyncadd.s32 $0xFFFFCE00  }
0x68: {  	[spmem:s2] =	stream.indirect.scatter.add.f32 [tilespmem:s17], [sflag:$0x3], $0x80, s31, s18, $0xb8;
	[tilespmem:$0x1EDC0] =	vst v63  }
0x69: {  	_ =	swait.ge [sflag:s21], $0x3200  }
0x6a: {  	[sflag:s21] =	ssyncset.done $0x0  }
0x6b: {  	s1 =	sadd.s32 $0x2908, s29;
	[sflag:s21] =	ssyncadd.s32 $0xFFFFCE00  }
0x6c: {  	[spmem:s2] =	stream.indirect.scatter.add.f32 [tilespmem:s19], [sflag:$0x4], $0x80, s1, s18, $0xb8;
	[tilespmem:$0x1EDC0] =	vst v63  }
0x6d: {  	_ =	swait.ge [sflag:s22], $0x3200  }
0x6e: {  	[sflag:s22] =	ssyncset.done $0x0  }
0x6f: {  	s30 =	sadd.s32 $0xD0, s29;
	[sflag:s22] =	ssyncadd.s32 $0xFFFFCE00  }
0x70: {  	[tilespmem:s17], [sflag:$0x1] =	stream.indirect.gather [hbm4b:s4+s18], $0x80, s30, s18, $0xb8;
	[tilespmem:$0x1EDC0] =	vst v63  }
0x71: {  	_ =	swait.ge [sflag:s23], $0x3200  }
0x72: {  	[sflag:s23] =	ssyncset.done $0x0  }
0x73: {  	[sflag:s23] =	ssyncadd.s32 $0xFFFFCE00  }
0x74: {  	[tilespmem:s19], [sflag:$0x2] =	stream.indirect.gather [hbm4b:s4+s18], $0x80, s24, s18, $0xb8;
	[tilespmem:$0x1EDC0] =	vst v63  }
0x75: {  	_ =	swait.ge [sflag:s20], $0x3200  }
0x76: {  	[sflag:s20] =	ssyncset.done $0x0  }
0x77: {  	[sflag:s20] =	ssyncadd.s32 $0xFFFFCE00  }
0x78: {  	[spmem:s2] =	stream.indirect.scatter.add.f32 [tilespmem:s17], [sflag:$0x3], $0x80, s25, s18, $0xb8;
	[tilespmem:$0x1EDC0] =	vst v63  }
0x79: {  	_ =	swait.ge [sflag:s21], $0x3200  }
0x7a: {  	[sflag:s21] =	ssyncset.done $0x0  }
0x7b: {  	[sflag:s21] =	ssyncadd.s32 $0xFFFFCE00  }
0x7c: {  	[spmem:s2] =	stream.indirect.scatter.add.f32 [tilespmem:s19], [sflag:$0x4], $0x80, s26, s18, $0xb8;
	[tilespmem:$0x1EDC0] =	vst v63  }
0x7d: {  	_ =	swait.ge [sflag:s22], $0x3200  }
0x7e: {  	[sflag:s22] =	ssyncset.done $0x0  }
0x7f: {  	[sflag:s22] =	ssyncadd.s32 $0xFFFFCE00  }
0x80: {  	_ =	swait.ge [sflag:s23], $0x3200  }
0x81: {  	[sflag:s23] =	ssyncset.done $0x0  }
0x82: {  	s31 =	sshll.u32 s16, $0x6;
	[sflag:s23] =	ssyncadd.s32 $0xFFFFCE00  }
0x83: {  	s0 =	sor.u32 $0x1C05, s31;
	s1 =	sshrl.u32 s7, $0x3;
	[bflag:$0x0] =	sbarrier.arrive $0xFFFF  }
0x84: {  	[hbm:s12], [sflag:s0] =	dma.local [spmem:s1], $0x2700  }
0x85: {  	_ =	swait.ge [sflag:s15], $0x2700  }
0x86: {  	s28 =	sadd.s32 $0x1, s28;
	[sflag:s15] =	ssyncset.done $0x0  }
0x87: {  	p1 =	sne.s32 s28, s14;
	s1 =	sshrl.u32 @!p0 s11, $0x3;
	[sflag:s15] =	ssyncadd.s32 $0xFFFFD900  }
0x88: {  	[hbm:s13], [sflag:s0] =	dma.local @!p0 [spmem:s1], $0x100  }
.Ltmp2:
0x89: {  	_ = 	snop;
	(pc) =	sbr.rel @p1 .LBB2_1-.Ltmp2, $4  }
0x8a: {  	s0 =	simm.s32 @!p0 $0x5  }
0x8b: {  	_ =	swait.ge @!p0 [sflag:s0], $0x100  }
0x8c: {  	[sflag:s0] =	ssyncset.done @!p0 $0x0  }
0x8d: {  	[sflag:s0] =	ssyncadd.s32 @!p0 $0xFFFFFF00  }
0x8e: {  	_ =	sfence.sel $0x180000  }
0x8f: {  	[bflag:$0x0] =	sbarrier.arrive $0xFFFF  }
0x90: {  	_ =	strace $0x9000004A  }
0x91: {  	[bflag:$0x2] =	sbarrier.arrive $0xFFFF  }
0x92: {  	p0 =	sne.s32 s16, $0x0;
	s0 =	rddreg [dreg:$0x2]  }
0x93: {  	s0 =	sadd.s32 @!p0 $0x100000, s0  }
0x94: {  	[sflag:s0] =	ssyncadd.tile.s32 @!p0 $0x1;
	_ =	shalt  }
.Lfunc_end2:
_tile_overlayer_lowered:
.L_overlay_start_2:
0x95: {  	(tag) =	ssettag $0x2  }
0x96: {  	s0 =	rddreg [dreg:$0x0];
	s2 =	stileid.u32  }
0x97: {  	s1 =	rddreg [dreg:$0x1];
	p0 =	sne.s32 s2, $0x0  }
0x98: {  	s3 =	rddreg [dreg:$0x2];
	[bflag:$0x3] =	sbarrier.arrive $0xFFFF;
	s2 =	simm.s32 @!p0 $0x1C05  }
0x99: {  	[timem:s3], [sflag:s2] =	dma.local @!p0 [hbm:s0], s1  }
0x9a: {  	s0 =	simm.s32 @!p0 $0x5  }
0x9b: {  	_ =	swait.ge @!p0 [sflag:s0], s1  }
0x9c: {  	s1 =	ssub.s32 @!p0 $0x0, s1;
	[sflag:s0] =	ssyncset.done @!p0 $0x0  }
0x9d: {  	[sflag:s0] =	ssyncadd.s32 @!p0 s1  }
0x9e: {  	[bflag:$0x3] =	sbarrier.arrive $0xFFFF  }
0x9f: {  	_ =	shalt  }

</sc_bundles>
